<compile_context>
chip_gen: v7x
topology: tpu7x:2x2x1
jax: 0.10.2.dev20260603
libtpu: 0.0.44.dev20260713+nightly
codegen_flags: <defaults>
</compile_context>

<pallas_src>
import functools

import jax
import jax.numpy as jnp
from jax import lax
from jax.experimental import pallas as pl
from jax.experimental.pallas import tpu as pltpu
from jax.experimental.pallas import tpu_sc as plsc

_NC = 2
_NS = 16
_NW = _NC * _NS
_L = 16

_B = 128
_GPW = 80
_NS_SLOTS = 5


def _half_tc(x):
    def body(x_ref, o_ref):
        o_ref[...] = x_ref[...] * 0.5

    N, D = x.shape
    return pl.pallas_call(
        body,
        out_shape=jax.ShapeDtypeStruct((N, D), jnp.float32),
        grid=(10,),
        in_specs=[pl.BlockSpec((N // 10, D), lambda i: (i, 0))],
        out_specs=pl.BlockSpec((N // 10, D), lambda i: (i, 0)),
    )(x)


@functools.lru_cache(maxsize=None)
def _graph_pool_sc(N, M, D):
    NCHUNK = M // _B
    RW = (N // _NW) & ~7
    NTAIL = N - _NW * RW
    mesh = plsc.VectorSubcoreMesh(core_axis_name="c", subcore_axis_name="s")

    @functools.partial(
        pl.kernel,
        out_type=jax.ShapeDtypeStruct((N + M, D), jnp.float32),
        mesh=mesh,
        scratch_types=[
            pltpu.VMEM((_GPW, _B), jnp.int32),
            pltpu.VMEM((_GPW, _B), jnp.int32),
        ]
        + [pltpu.VMEM((_B, D), jnp.float32) for _ in range(_NS_SLOTS)]
        + [pltpu.SemaphoreType.DMA for _ in range(2 * _NS_SLOTS)],
    )
    def k(x_hbm, xh_hbm, i0_hbm, i1_hbm, out_hbm, ia, ib, *bufs):
        rs = bufs[:_NS_SLOTS]
        gsem = bufs[_NS_SLOTS:2 * _NS_SLOTS]
        osem = bufs[2 * _NS_SLOTS:3 * _NS_SLOTS]
        cid = lax.axis_index("c")
        sid = lax.axis_index("s")
        wid = cid * _NS + sid

        pltpu.sync_copy(x_hbm.at[pl.ds(wid * RW, RW)],
                        out_hbm.at[pl.ds(wid * RW, RW)])

        @pl.when(wid == 0)
        def _copy_top_tail():
            pltpu.sync_copy(x_hbm.at[pl.ds(_NW * RW, NTAIL)],
                            out_hbm.at[pl.ds(_NW * RW, NTAIL)])

        row0 = wid * _GPW
        nv = jnp.minimum(_GPW, jnp.maximum(0, NCHUNK - row0))
        pltpu.sync_copy(i0_hbm.at[pl.ds(row0, _GPW)], ia)
        pltpu.sync_copy(i1_hbm.at[pl.ds(row0, _GPW)], ib)

        def plain(g, s):
            pltpu.async_copy(xh_hbm.at[ia.at[g]], rs[s], gsem[s])

        def wait_g(g, s):
            pltpu.make_async_copy(xh_hbm.at[ia.at[g]], rs[s], gsem[s]).wait()

        def addg(g, s):
            pltpu.async_copy(xh_hbm.at[ib.at[g]], rs[s], gsem[s], add=True)

        def drain_out(s):
            pltpu.make_async_copy(rs[s], out_hbm.at[pl.ds(N, _B)],
                                  osem[s]).wait()

        plain(0, 0)
        plain(1, 1)
        plain(2, 2)
        wait_g(0, 0)
        addg(0, 0)

        def step(t, carry):
            for sub in range(_NS_SLOTS):
                g = t * _NS_SLOTS + sub
                s0 = sub
                s1 = (sub + 1) % _NS_SLOTS
                s3 = (sub + 3) % _NS_SLOTS

                @pl.when(g + 3 < nv)
                def _issue_plain():
                    @pl.when(g >= 2)
                    def _drain():
                        drain_out(s3)
                    plain(g + 3, s3)

                @pl.when(g + 1 < nv)
                def _issue_add():
                    wait_g(g + 1, s1)
                    addg(g + 1, s1)

                wait_g(g, s0)
                r = row0 + g
                pltpu.async_copy(rs[s0], out_hbm.at[pl.ds(N + r * _B, _B)],
                                 osem[s0])
            return carry

        lax.fori_loop(0, nv // _NS_SLOTS, step, 0)
        for s in range(_NS_SLOTS):
            drain_out(s)

    return k


@jax.jit
def kernel(x, pool_idx):
    N, D = x.shape
    M = pool_idx.shape[0]
    npad = _NW * _GPW * _B - M
    pad = jnp.arange(npad, dtype=jnp.int32) % N
    i0 = jnp.concatenate([pool_idx[:, 0], pad]).reshape(_NW * _GPW, _B)
    i1 = jnp.concatenate([pool_idx[:, 1], pad]).reshape(_NW * _GPW, _B)
    xh = _half_tc(x)
    return _graph_pool_sc(N, M, D)(x, xh, i0, i1)

# --- scband reference (transcript-rebuilt; emitter-appended) ---
"""Pipeline reference for scband-graph-pooling-58059367907673 (READ-ONLY COPY).

The authoritative reference and input builder live on the scoring server;
editing this copy changes nothing except your own understanding.
"""

import jax, jax.numpy as jnp
import numpy as np

N_NODES = 10000
N_EDGES = 320000
D_FEAT = 128


def setup_inputs(seed: int = 0) -> dict:
    key = jax.random.key(seed)
    k1, k2 = jax.random.split(key)
    x = jax.random.normal(k1, (N_NODES, D_FEAT), dtype=jnp.float32)
    # pool_idx is a registered buffer in the torch module (edge endpoint pairs);
    # materialized here as an input. int32 used since default jax disables x64.
    pool_idx = jax.random.randint(k2, (N_EDGES, 2), 0, N_NODES, dtype=jnp.int32)
    return {"x": x, "pool_idx": pool_idx}


def reference(x, pool_idx):
    # neighbors = x[self.pool_idx] -> (M, 2, F) gather
    neighbors = x[pool_idx]
    # add_feat = neighbors.mean(dim=1) -> (M, F)
    add_feat = neighbors.mean(axis=1)
    # output = torch.cat([x, add_feat], dim=0) -> (N+M, F)
    output = jnp.concatenate([x, add_feat], axis=0)
    return output

if __name__ == "__main__":
    import jax
    _d = setup_inputs()
    print(jax.jit(kernel)(*tuple(_d.values())))

</pallas_src>

<mosaic_0001>
#map = affine_map<(d0, d1) -> (0, 0)>
module attributes {stable_mosaic.version = 14 : i64} {
  func.func @k(%arg0: i32, %arg1: i32, %arg2: memref<10000x128xf32, #tpu.memory_space<hbm>>, %arg3: memref<10000x128xf32, #tpu.memory_space<hbm>>, %arg4: memref<2560x128xi32, #tpu.memory_space<hbm>>, %arg5: memref<2560x128xi32, #tpu.memory_space<hbm>>, %arg6: memref<330000x128xf32, #tpu.memory_space<hbm>>, %arg7: memref<80x128xi32, #tpu.memory_space<vmem>>, %arg8: memref<80x128xi32, #tpu.memory_space<vmem>>, %arg9: memref<128x128xf32, #tpu.memory_space<vmem>>, %arg10: memref<128x128xf32, #tpu.memory_space<vmem>>, %arg11: memref<128x128xf32, #tpu.memory_space<vmem>>, %arg12: memref<128x128xf32, #tpu.memory_space<vmem>>, %arg13: memref<128x128xf32, #tpu.memory_space<vmem>>, %arg14: memref<!tpu.dma_semaphore, #tpu.memory_space<semaphore_mem>>, %arg15: memref<!tpu.dma_semaphore, #tpu.memory_space<semaphore_mem>>, %arg16: memref<!tpu.dma_semaphore, #tpu.memory_space<semaphore_mem>>, %arg17: memref<!tpu.dma_semaphore, #tpu.memory_space<semaphore_mem>>, %arg18: memref<!tpu.dma_semaphore, #tpu.memory_space<semaphore_mem>>, %arg19: memref<!tpu.dma_semaphore, #tpu.memory_space<semaphore_mem>>, %arg20: memref<!tpu.dma_semaphore, #tpu.memory_space<semaphore_mem>>, %arg21: memref<!tpu.dma_semaphore, #tpu.memory_space<semaphore_mem>>, %arg22: memref<!tpu.dma_semaphore, #tpu.memory_space<semaphore_mem>>, %arg23: memref<!tpu.dma_semaphore, #tpu.memory_space<semaphore_mem>>) attributes {dimension_semantics = [#tpu.dimension_semantics<core_parallel>, #tpu.dimension_semantics<subcore_parallel>], iteration_bounds = array<i64: 2, 16>, scalar_prefetch = 0 : i64, scratch_operands = 17 : i64, tpu.core_type = #tpu.core_type<sc_vector_subcore>, window_params = [{transform_indices = #map}, {transform_indices = #map}, {transform_indices = #map}, {transform_indices = #map}, {transform_indices = #map}]} {
    %mul3A = arith.constant 16 : i32
    %mul3A_0 = arith.muli %arg0, %mul3A : i32
    %add3A = arith.addi %mul3A_0, %arg1 : i32
    %mul3A_1 = arith.constant 312 : i32
    %mul3A_2 = arith.muli %add3A, %mul3A_1 : i32
    %mul3A_3 = arith.constant 312 : i32
    %mul3A_4 = arith.muli %add3A, %mul3A_3 : i32
    "tpu.region"() ({
      %run_scoped3A = tpu.sem_alloc : memref<!tpu.dma_semaphore, #tpu.memory_space<semaphore_mem>>
      %dma_start3A_101 = arith.constant 0 : i32
      %dma_start3A_102 = tpu.memref_slice %arg6[%mul3A_4, %dma_start3A_101] : memref<330000x128xf32, #tpu.memory_space<hbm>> -> memref<312x128xf32, #tpu.memory_space<hbm>>
      %dma_start3A_103 = arith.constant 0 : i32
      %dma_start3A_104 = tpu.memref_slice %arg2[%mul3A_2, %dma_start3A_103] : memref<10000x128xf32, #tpu.memory_space<hbm>> -> memref<312x128xf32, #tpu.memory_space<hbm>>
      tpu.enqueue_dma source(%dma_start3A_104 : memref<312x128xf32, #tpu.memory_space<hbm>>) target(%dma_start3A_102 : memref<312x128xf32, #tpu.memory_space<hbm>>) target_semaphore(%run_scoped3A : memref<!tpu.dma_semaphore, #tpu.memory_space<semaphore_mem>>)
      %dma_wait3A_105 = arith.constant 0 : i32
      %dma_wait3A_106 = tpu.memref_slice %arg6[%mul3A_4, %dma_wait3A_105] : memref<330000x128xf32, #tpu.memory_space<hbm>> -> memref<312x128xf32, #tpu.memory_space<hbm>>
      %dma_wait3A_107 = arith.constant 0 : i32
      %dma_wait3A_108 = tpu.memref_slice %arg2[%mul3A_2, %dma_wait3A_107] : memref<10000x128xf32, #tpu.memory_space<hbm>> -> memref<312x128xf32, #tpu.memory_space<hbm>>
      tpu.wait_dma2 semaphore(%run_scoped3A : memref<!tpu.dma_semaphore, #tpu.memory_space<semaphore_mem>>) src(%dma_wait3A_108 : memref<312x128xf32, #tpu.memory_space<hbm>>) dst(%dma_wait3A_106 : memref<312x128xf32, #tpu.memory_space<hbm>>)
      tpu.yield
    }) : () -> ()
    %eq3A = arith.constant 0 : i32
    %eq3A_5 = arith.cmpi eq, %add3A, %eq3A : i32
    %convert_element_type3A = arith.extui %eq3A_5 : i1 to i32
    %cond3A = arith.constant 0 : i32
    %cond3A_6 = arith.cmpi ne, %convert_element_type3A, %cond3A : i32
    scf.if %cond3A_6 {
      "tpu.region"() ({
        %run_scoped3A = tpu.sem_alloc : memref<!tpu.dma_semaphore, #tpu.memory_space<semaphore_mem>>
        %dma_start3A_101 = arith.constant 9984 : i32
        %dma_start3A_102 = arith.constant 0 : i32
        %dma_start3A_103 = tpu.memref_slice %arg6[%dma_start3A_101, %dma_start3A_102] : memref<330000x128xf32, #tpu.memory_space<hbm>> -> memref<16x128xf32, #tpu.memory_space<hbm>>
        %dma_start3A_104 = arith.constant 9984 : i32
        %dma_start3A_105 = arith.constant 0 : i32
        %dma_start3A_106 = tpu.memref_slice %arg2[%dma_start3A_104, %dma_start3A_105] : memref<10000x128xf32, #tpu.memory_space<hbm>> -> memref<16x128xf32, #tpu.memory_space<hbm>>
        tpu.enqueue_dma source(%dma_start3A_106 : memref<16x128xf32, #tpu.memory_space<hbm>>) target(%dma_start3A_103 : memref<16x128xf32, #tpu.memory_space<hbm>>) target_semaphore(%run_scoped3A : memref<!tpu.dma_semaphore, #tpu.memory_space<semaphore_mem>>)
        %dma_wait3A_107 = arith.constant 9984 : i32
        %dma_wait3A_108 = arith.constant 0 : i32
        %dma_wait3A_109 = tpu.memref_slice %arg6[%dma_wait3A_107, %dma_wait3A_108] : memref<330000x128xf32, #tpu.memory_space<hbm>> -> memref<16x128xf32, #tpu.memory_space<hbm>>
        %dma_wait3A_110 = arith.constant 9984 : i32
        %dma_wait3A_111 = arith.constant 0 : i32
        %dma_wait3A_112 = tpu.memref_slice %arg2[%dma_wait3A_110, %dma_wait3A_111] : memref<10000x128xf32, #tpu.memory_space<hbm>> -> memref<16x128xf32, #tpu.memory_space<hbm>>
        tpu.wait_dma2 semaphore(%run_scoped3A : memref<!tpu.dma_semaphore, #tpu.memory_space<semaphore_mem>>) src(%dma_wait3A_112 : memref<16x128xf32, #tpu.memory_space<hbm>>) dst(%dma_wait3A_109 : memref<16x128xf32, #tpu.memory_space<hbm>>)
        tpu.yield
      }) : () -> ()
    } else {
    }
    %mul3A_7 = arith.constant 80 : i32
    %mul3A_8 = arith.muli %add3A, %mul3A_7 : i32
    %sub3A = arith.constant 2500 : i32
    %sub3A_9 = arith.subi %sub3A, %mul3A_8 : i32
    %max3A = arith.constant 0 : i32
    %max3A_10 = arith.maxsi %max3A, %sub3A_9 : i32
    %min3A = arith.constant 80 : i32
    %min3A_11 = arith.minsi %min3A, %max3A_10 : i32
    "tpu.region"() ({
      %run_scoped3A = tpu.sem_alloc : memref<!tpu.dma_semaphore, #tpu.memory_space<semaphore_mem>>
      %dma_start3A_101 = arith.constant 0 : i32
      %dma_start3A_102 = tpu.memref_slice %arg4[%mul3A_8, %dma_start3A_101] : memref<2560x128xi32, #tpu.memory_space<hbm>> -> memref<80x128xi32, #tpu.memory_space<hbm>>
      %dma_start3A_103 = arith.constant 0 : i32
      %dma_start3A_104 = tpu.memref_slice %arg4[%mul3A_8, %dma_start3A_103] : memref<2560x128xi32, #tpu.memory_space<hbm>> -> memref<80x128xi32, #tpu.memory_space<hbm>>
      tpu.enqueue_dma source(%dma_start3A_104 : memref<80x128xi32, #tpu.memory_space<hbm>>) target(%arg7 : memref<80x128xi32, #tpu.memory_space<vmem>>) target_semaphore(%run_scoped3A : memref<!tpu.dma_semaphore, #tpu.memory_space<semaphore_mem>>)
      %dma_wait3A_105 = arith.constant 0 : i32
      %dma_wait3A_106 = tpu.memref_slice %arg4[%mul3A_8, %dma_wait3A_105] : memref<2560x128xi32, #tpu.memory_space<hbm>> -> memref<80x128xi32, #tpu.memory_space<hbm>>
      %dma_wait3A_107 = arith.constant 0 : i32
      %dma_wait3A_108 = tpu.memref_slice %arg4[%mul3A_8, %dma_wait3A_107] : memref<2560x128xi32, #tpu.memory_space<hbm>> -> memref<80x128xi32, #tpu.memory_space<hbm>>
      tpu.wait_dma2 semaphore(%run_scoped3A : memref<!tpu.dma_semaphore, #tpu.memory_space<semaphore_mem>>) src(%dma_wait3A_108 : memref<80x128xi32, #tpu.memory_space<hbm>>) dst(%arg7 : memref<80x128xi32, #tpu.memory_space<vmem>>)
      tpu.yield
    }) : () -> ()
    "tpu.region"() ({
      %run_scoped3A = tpu.sem_alloc : memref<!tpu.dma_semaphore, #tpu.memory_space<semaphore_mem>>
      %dma_start3A_101 = arith.constant 0 : i32
      %dma_start3A_102 = tpu.memref_slice %arg5[%mul3A_8, %dma_start3A_101] : memref<2560x128xi32, #tpu.memory_space<hbm>> -> memref<80x128xi32, #tpu.memory_space<hbm>>
      %dma_start3A_103 = arith.constant 0 : i32
      %dma_start3A_104 = tpu.memref_slice %arg5[%mul3A_8, %dma_start3A_103] : memref<2560x128xi32, #tpu.memory_space<hbm>> -> memref<80x128xi32, #tpu.memory_space<hbm>>
      tpu.enqueue_dma source(%dma_start3A_104 : memref<80x128xi32, #tpu.memory_space<hbm>>) target(%arg8 : memref<80x128xi32, #tpu.memory_space<vmem>>) target_semaphore(%run_scoped3A : memref<!tpu.dma_semaphore, #tpu.memory_space<semaphore_mem>>)
      %dma_wait3A_105 = arith.constant 0 : i32
      %dma_wait3A_106 = tpu.memref_slice %arg5[%mul3A_8, %dma_wait3A_105] : memref<2560x128xi32, #tpu.memory_space<hbm>> -> memref<80x128xi32, #tpu.memory_space<hbm>>
      %dma_wait3A_107 = arith.constant 0 : i32
      %dma_wait3A_108 = tpu.memref_slice %arg5[%mul3A_8, %dma_wait3A_107] : memref<2560x128xi32, #tpu.memory_space<hbm>> -> memref<80x128xi32, #tpu.memory_space<hbm>>
      tpu.wait_dma2 semaphore(%run_scoped3A : memref<!tpu.dma_semaphore, #tpu.memory_space<semaphore_mem>>) src(%dma_wait3A_108 : memref<80x128xi32, #tpu.memory_space<hbm>>) dst(%arg8 : memref<80x128xi32, #tpu.memory_space<vmem>>)
      tpu.yield
    }) : () -> ()
    %dma_start3A = arith.constant 0 : i32
    %dma_start3A_12 = arith.constant 0 : i32
    %dma_start3A_13 = tpu.memref_slice %arg7[%dma_start3A, %dma_start3A_12] : memref<80x128xi32, #tpu.memory_space<vmem>> -> memref<1x128xi32, #tpu.memory_space<vmem>>
    %dma_start3A_14 = tpu.memref_squeeze %dma_start3A_13 : memref<1x128xi32, #tpu.memory_space<vmem>> -> memref<128xi32, #tpu.memory_space<vmem>>
    %dma_start3A_15 = arith.constant 0 : i32
    %dma_start3A_16 = arith.constant 0 : i32
    %dma_start3A_17 = tpu.memref_slice %arg3[%dma_start3A_15, %dma_start3A_16] : memref<10000x128xf32, #tpu.memory_space<hbm>> -> memref<10000x128xf32, #tpu.memory_space<hbm>>
    tpu.enqueue_indirect_dma source(%dma_start3A_17 : memref<10000x128xf32, #tpu.memory_space<hbm>>) target(%arg9 : memref<128x128xf32, #tpu.memory_space<vmem>>) offsets(%dma_start3A_14 : memref<128xi32, #tpu.memory_space<vmem>>) semaphore(%arg14 : memref<!tpu.dma_semaphore, #tpu.memory_space<semaphore_mem>>)
    %dma_start3A_18 = arith.constant 1 : i32
    %dma_start3A_19 = arith.constant 0 : i32
    %dma_start3A_20 = tpu.memref_slice %arg7[%dma_start3A_18, %dma_start3A_19] : memref<80x128xi32, #tpu.memory_space<vmem>> -> memref<1x128xi32, #tpu.memory_space<vmem>>
    %dma_start3A_21 = tpu.memref_squeeze %dma_start3A_20 : memref<1x128xi32, #tpu.memory_space<vmem>> -> memref<128xi32, #tpu.memory_space<vmem>>
    %dma_start3A_22 = arith.constant 0 : i32
    %dma_start3A_23 = arith.constant 0 : i32
    %dma_start3A_24 = tpu.memref_slice %arg3[%dma_start3A_22, %dma_start3A_23] : memref<10000x128xf32, #tpu.memory_space<hbm>> -> memref<10000x128xf32, #tpu.memory_space<hbm>>
    tpu.enqueue_indirect_dma source(%dma_start3A_24 : memref<10000x128xf32, #tpu.memory_space<hbm>>) target(%arg10 : memref<128x128xf32, #tpu.memory_space<vmem>>) offsets(%dma_start3A_21 : memref<128xi32, #tpu.memory_space<vmem>>) semaphore(%arg15 : memref<!tpu.dma_semaphore, #tpu.memory_space<semaphore_mem>>)
    %dma_start3A_25 = arith.constant 2 : i32
    %dma_start3A_26 = arith.constant 0 : i32
    %dma_start3A_27 = tpu.memref_slice %arg7[%dma_start3A_25, %dma_start3A_26] : memref<80x128xi32, #tpu.memory_space<vmem>> -> memref<1x128xi32, #tpu.memory_space<vmem>>
    %dma_start3A_28 = tpu.memref_squeeze %dma_start3A_27 : memref<1x128xi32, #tpu.memory_space<vmem>> -> memref<128xi32, #tpu.memory_space<vmem>>
    %dma_start3A_29 = arith.constant 0 : i32
    %dma_start3A_30 = arith.constant 0 : i32
    %dma_start3A_31 = tpu.memref_slice %arg3[%dma_start3A_29, %dma_start3A_30] : memref<10000x128xf32, #tpu.memory_space<hbm>> -> memref<10000x128xf32, #tpu.memory_space<hbm>>
    tpu.enqueue_indirect_dma source(%dma_start3A_31 : memref<10000x128xf32, #tpu.memory_space<hbm>>) target(%arg11 : memref<128x128xf32, #tpu.memory_space<vmem>>) offsets(%dma_start3A_28 : memref<128xi32, #tpu.memory_space<vmem>>) semaphore(%arg16 : memref<!tpu.dma_semaphore, #tpu.memory_space<semaphore_mem>>)
    %dma_wait3A = arith.constant 0 : i32
    %dma_wait3A_32 = arith.constant 0 : i32
    %dma_wait3A_33 = tpu.memref_slice %arg7[%dma_wait3A, %dma_wait3A_32] : memref<80x128xi32, #tpu.memory_space<vmem>> -> memref<1x128xi32, #tpu.memory_space<vmem>>
    %dma_wait3A_34 = tpu.memref_squeeze %dma_wait3A_33 : memref<1x128xi32, #tpu.memory_space<vmem>> -> memref<128xi32, #tpu.memory_space<vmem>>
    %dma_wait3A_35 = arith.constant 0 : i32
    %dma_wait3A_36 = arith.constant 0 : i32
    %dma_wait3A_37 = tpu.memref_slice %arg3[%dma_wait3A_35, %dma_wait3A_36] : memref<10000x128xf32, #tpu.memory_space<hbm>> -> memref<10000x128xf32, #tpu.memory_space<hbm>>
    tpu.wait_indirect_dma semaphore(%arg14 : memref<!tpu.dma_semaphore, #tpu.memory_space<semaphore_mem>>) src(%dma_wait3A_37 : memref<10000x128xf32, #tpu.memory_space<hbm>>) dst(%arg9 : memref<128x128xf32, #tpu.memory_space<vmem>>)
    %dma_start3A_38 = arith.constant 0 : i32
    %dma_start3A_39 = arith.constant 0 : i32
    %dma_start3A_40 = tpu.memref_slice %arg8[%dma_start3A_38, %dma_start3A_39] : memref<80x128xi32, #tpu.memory_space<vmem>> -> memref<1x128xi32, #tpu.memory_space<vmem>>
    %dma_start3A_41 = tpu.memref_squeeze %dma_start3A_40 : memref<1x128xi32, #tpu.memory_space<vmem>> -> memref<128xi32, #tpu.memory_space<vmem>>
    %dma_start3A_42 = arith.constant 0 : i32
    %dma_start3A_43 = arith.constant 0 : i32
    %dma_start3A_44 = tpu.memref_slice %arg3[%dma_start3A_42, %dma_start3A_43] : memref<10000x128xf32, #tpu.memory_space<hbm>> -> memref<10000x128xf32, #tpu.memory_space<hbm>>
    tpu.enqueue_indirect_dma source(%dma_start3A_44 : memref<10000x128xf32, #tpu.memory_space<hbm>>) target(%arg9 : memref<128x128xf32, #tpu.memory_space<vmem>>) offsets(%dma_start3A_41 : memref<128xi32, #tpu.memory_space<vmem>>) semaphore(%arg14 : memref<!tpu.dma_semaphore, #tpu.memory_space<semaphore_mem>>) {add = true}
    %jit3A = arith.constant 5 : i32
    %div3A = arith.divsi %min3A_11, %jit3A : i32
    %sign3A = arith.constant 0 : i32
    %sign3A_45 = arith.cmpi sgt, %min3A_11, %sign3A : i32
    %sign3A_46 = arith.extui %sign3A_45 : i1 to i32
    %sign3A_47 = arith.constant 0 : i32
    %sign3A_48 = arith.cmpi slt, %min3A_11, %sign3A_47 : i32
    %sign3A_49 = arith.extui %sign3A_48 : i1 to i32
    %sign3A_50 = arith.subi %sign3A_46, %sign3A_49 : i32
    %sign3A_51 = arith.constant 0 : i32
    %sign3A_52 = arith.cmpi sgt, %jit3A, %sign3A_51 : i32
    %sign3A_53 = arith.extui %sign3A_52 : i1 to i32
    %sign3A_54 = arith.constant 0 : i32
    %sign3A_55 = arith.cmpi slt, %jit3A, %sign3A_54 : i32
    %sign3A_56 = arith.extui %sign3A_55 : i1 to i32
    %sign3A_57 = arith.subi %sign3A_53, %sign3A_56 : i32
    %ne3A = arith.cmpi ne, %sign3A_50, %sign3A_57 : i32
    %rem3A = arith.remsi %min3A_11, %jit3A : i32
    %ne3A_58 = arith.constant 0 : i32
    %ne3A_59 = arith.cmpi ne, %rem3A, %ne3A_58 : i32
    %and3A = arith.andi %ne3A, %ne3A_59 : i1
    %sub3A_60 = arith.constant 1 : i32
    %sub3A_61 = arith.subi %div3A, %sub3A_60 : i32
    %select_n3A = arith.select %and3A, %sub3A_61, %div3A : i32
    %while3A = arith.constant 0 : i32
    %while3A_62 = arith.constant 0 : i32
    %while3A_63 = arith.subi %select_n3A, %while3A_62 : i32
    %while3A_64 = arith.addi %while3A_62, %while3A_63 : i32
    %while3A_65 = arith.constant 1 : i32
    %while3A_66 = arith.divsi %while3A_63, %while3A_65 : i32
    %while3A_67 = arith.muli %while3A_66, %while3A_65 : i32
    %while3A_68 = arith.addi %while3A_62, %while3A_67 : i32
    %while3A_69 = arith.constant 1 : i32
    scf.for %while3A_101 = %while3A_62 to %while3A_68 step %while3A_69  : i32 {
      %mul3A_102 = arith.constant 5 : i32
      %mul3A_103 = arith.muli %while3A_101, %mul3A_102 : i32
      %add3A_104 = arith.constant 0 : i32
      %add3A_105 = arith.addi %mul3A_103, %add3A_104 : i32
      %add3A_106 = arith.constant 3 : i32
      %add3A_107 = arith.addi %add3A_105, %add3A_106 : i32
      %lt3A = arith.cmpi slt, %add3A_107, %min3A_11 : i32
      %convert_element_type3A_108 = arith.extui %lt3A : i1 to i32
      %cond3A_109 = arith.constant 0 : i32
      %cond3A_110 = arith.cmpi ne, %convert_element_type3A_108, %cond3A_109 : i32
      scf.if %cond3A_110 {
        %ge3A = arith.constant 2 : i32
        %ge3A_256 = arith.cmpi sge, %add3A_105, %ge3A : i32
        %convert_element_type3A_257 = arith.extui %ge3A_256 : i1 to i32
        %cond3A_258 = arith.constant 0 : i32
        %cond3A_259 = arith.cmpi ne, %convert_element_type3A_257, %cond3A_258 : i32
        scf.if %cond3A_259 {
          %dma_wait3A_268 = arith.constant 10000 : i32
          %dma_wait3A_269 = arith.constant 0 : i32
          %dma_wait3A_270 = tpu.memref_slice %arg6[%dma_wait3A_268, %dma_wait3A_269] : memref<330000x128xf32, #tpu.memory_space<hbm>> -> memref<128x128xf32, #tpu.memory_space<hbm>>
          %dma_wait3A_271 = arith.constant 10000 : i32
          %dma_wait3A_272 = arith.constant 0 : i32
          %dma_wait3A_273 = tpu.memref_slice %arg6[%dma_wait3A_271, %dma_wait3A_272] : memref<330000x128xf32, #tpu.memory_space<hbm>> -> memref<128x128xf32, #tpu.memory_space<hbm>>
          tpu.wait_dma2 semaphore(%arg22 : memref<!tpu.dma_semaphore, #tpu.memory_space<semaphore_mem>>) src(%arg12 : memref<128x128xf32, #tpu.memory_space<vmem>>) dst(%dma_wait3A_273 : memref<128x128xf32, #tpu.memory_space<hbm>>)
        } else {
        }
        %add3A_260 = arith.constant 3 : i32
        %add3A_261 = arith.addi %add3A_105, %add3A_260 : i32
        %dma_start3A_262 = arith.constant 0 : i32
        %dma_start3A_263 = tpu.memref_slice %arg7[%add3A_261, %dma_start3A_262] : memref<80x128xi32, #tpu.memory_space<vmem>> -> memref<1x128xi32, #tpu.memory_space<vmem>>
        %dma_start3A_264 = tpu.memref_squeeze %dma_start3A_263 : memref<1x128xi32, #tpu.memory_space<vmem>> -> memref<128xi32, #tpu.memory_space<vmem>>
        %dma_start3A_265 = arith.constant 0 : i32
        %dma_start3A_266 = arith.constant 0 : i32
        %dma_start3A_267 = tpu.memref_slice %arg3[%dma_start3A_265, %dma_start3A_266] : memref<10000x128xf32, #tpu.memory_space<hbm>> -> memref<10000x128xf32, #tpu.memory_space<hbm>>
        tpu.enqueue_indirect_dma source(%dma_start3A_267 : memref<10000x128xf32, #tpu.memory_space<hbm>>) target(%arg12 : memref<128x128xf32, #tpu.memory_space<vmem>>) offsets(%dma_start3A_264 : memref<128xi32, #tpu.memory_space<vmem>>) semaphore(%arg17 : memref<!tpu.dma_semaphore, #tpu.memory_space<semaphore_mem>>)
      } else {
      }
      %add3A_111 = arith.constant 1 : i32
      %add3A_112 = arith.addi %add3A_105, %add3A_111 : i32
      %lt3A_113 = arith.cmpi slt, %add3A_112, %min3A_11 : i32
      %convert_element_type3A_114 = arith.extui %lt3A_113 : i1 to i32
      %cond3A_115 = arith.constant 0 : i32
      %cond3A_116 = arith.cmpi ne, %convert_element_type3A_114, %cond3A_115 : i32
      scf.if %cond3A_116 {
        %add3A_256 = arith.constant 1 : i32
        %add3A_257 = arith.addi %add3A_105, %add3A_256 : i32
        %dma_wait3A_258 = arith.constant 0 : i32
        %dma_wait3A_259 = tpu.memref_slice %arg7[%add3A_257, %dma_wait3A_258] : memref<80x128xi32, #tpu.memory_space<vmem>> -> memref<1x128xi32, #tpu.memory_space<vmem>>
        %dma_wait3A_260 = tpu.memref_squeeze %dma_wait3A_259 : memref<1x128xi32, #tpu.memory_space<vmem>> -> memref<128xi32, #tpu.memory_space<vmem>>
        %dma_wait3A_261 = arith.constant 0 : i32
        %dma_wait3A_262 = arith.constant 0 : i32
        %dma_wait3A_263 = tpu.memref_slice %arg3[%dma_wait3A_261, %dma_wait3A_262] : memref<10000x128xf32, #tpu.memory_space<hbm>> -> memref<10000x128xf32, #tpu.memory_space<hbm>>
        tpu.wait_indirect_dma semaphore(%arg15 : memref<!tpu.dma_semaphore, #tpu.memory_space<semaphore_mem>>) src(%dma_wait3A_263 : memref<10000x128xf32, #tpu.memory_space<hbm>>) dst(%arg10 : memref<128x128xf32, #tpu.memory_space<vmem>>)
        %add3A_264 = arith.constant 1 : i32
        %add3A_265 = arith.addi %add3A_105, %add3A_264 : i32
        %dma_start3A_266 = arith.constant 0 : i32
        %dma_start3A_267 = tpu.memref_slice %arg8[%add3A_265, %dma_start3A_266] : memref<80x128xi32, #tpu.memory_space<vmem>> -> memref<1x128xi32, #tpu.memory_space<vmem>>
        %dma_start3A_268 = tpu.memref_squeeze %dma_start3A_267 : memref<1x128xi32, #tpu.memory_space<vmem>> -> memref<128xi32, #tpu.memory_space<vmem>>
        %dma_start3A_269 = arith.constant 0 : i32
        %dma_start3A_270 = arith.constant 0 : i32
        %dma_start3A_271 = tpu.memref_slice %arg3[%dma_start3A_269, %dma_start3A_270] : memref<10000x128xf32, #tpu.memory_space<hbm>> -> memref<10000x128xf32, #tpu.memory_space<hbm>>
        tpu.enqueue_indirect_dma source(%dma_start3A_271 : memref<10000x128xf32, #tpu.memory_space<hbm>>) target(%arg10 : memref<128x128xf32, #tpu.memory_space<vmem>>) offsets(%dma_start3A_268 : memref<128xi32, #tpu.memory_space<vmem>>) semaphore(%arg15 : memref<!tpu.dma_semaphore, #tpu.memory_space<semaphore_mem>>) {add = true}
      } else {
      }
      %dma_wait3A_117 = arith.constant 0 : i32
      %dma_wait3A_118 = tpu.memref_slice %arg7[%add3A_105, %dma_wait3A_117] : memref<80x128xi32, #tpu.memory_space<vmem>> -> memref<1x128xi32, #tpu.memory_space<vmem>>
      %dma_wait3A_119 = tpu.memref_squeeze %dma_wait3A_118 : memref<1x128xi32, #tpu.memory_space<vmem>> -> memref<128xi32, #tpu.memory_space<vmem>>
      %dma_wait3A_120 = arith.constant 0 : i32
      %dma_wait3A_121 = arith.constant 0 : i32
      %dma_wait3A_122 = tpu.memref_slice %arg3[%dma_wait3A_120, %dma_wait3A_121] : memref<10000x128xf32, #tpu.memory_space<hbm>> -> memref<10000x128xf32, #tpu.memory_space<hbm>>
      tpu.wait_indirect_dma semaphore(%arg14 : memref<!tpu.dma_semaphore, #tpu.memory_space<semaphore_mem>>) src(%dma_wait3A_122 : memref<10000x128xf32, #tpu.memory_space<hbm>>) dst(%arg9 : memref<128x128xf32, #tpu.memory_space<vmem>>)
      %add3A_123 = arith.addi %mul3A_8, %add3A_105 : i32
      %mul3A_124 = arith.constant 128 : i32
      %mul3A_125 = arith.muli %add3A_123, %mul3A_124 : i32
      %add3A_126 = arith.constant 10000 : i32
      %add3A_127 = arith.addi %add3A_126, %mul3A_125 : i32
      %dma_start3A_128 = arith.constant 0 : i32
      %dma_start3A_129 = tpu.memref_slice %arg6[%add3A_127, %dma_start3A_128] : memref<330000x128xf32, #tpu.memory_space<hbm>> -> memref<128x128xf32, #tpu.memory_space<hbm>>
      %dma_start3A_130 = arith.constant 0 : i32
      %dma_start3A_131 = tpu.memref_slice %arg6[%add3A_127, %dma_start3A_130] : memref<330000x128xf32, #tpu.memory_space<hbm>> -> memref<128x128xf32, #tpu.memory_space<hbm>>
      tpu.enqueue_dma source(%arg9 : memref<128x128xf32, #tpu.memory_space<vmem>>) target(%dma_start3A_131 : memref<128x128xf32, #tpu.memory_space<hbm>>) target_semaphore(%arg19 : memref<!tpu.dma_semaphore, #tpu.memory_space<semaphore_mem>>)
      %mul3A_132 = arith.constant 5 : i32
      %mul3A_133 = arith.muli %while3A_101, %mul3A_132 : i32
      %add3A_134 = arith.constant 1 : i32
      %add3A_135 = arith.addi %mul3A_133, %add3A_134 : i32
      %add3A_136 = arith.constant 3 : i32
      %add3A_137 = arith.addi %add3A_135, %add3A_136 : i32
      %lt3A_138 = arith.cmpi slt, %add3A_137, %min3A_11 : i32
      %convert_element_type3A_139 = arith.extui %lt3A_138 : i1 to i32
      %cond3A_140 = arith.constant 0 : i32
      %cond3A_141 = arith.cmpi ne, %convert_element_type3A_139, %cond3A_140 : i32
      scf.if %cond3A_141 {
        %ge3A = arith.constant 2 : i32
        %ge3A_256 = arith.cmpi sge, %add3A_135, %ge3A : i32
        %convert_element_type3A_257 = arith.extui %ge3A_256 : i1 to i32
        %cond3A_258 = arith.constant 0 : i32
        %cond3A_259 = arith.cmpi ne, %convert_element_type3A_257, %cond3A_258 : i32
        scf.if %cond3A_259 {
          %dma_wait3A_268 = arith.constant 10000 : i32
          %dma_wait3A_269 = arith.constant 0 : i32
          %dma_wait3A_270 = tpu.memref_slice %arg6[%dma_wait3A_268, %dma_wait3A_269] : memref<330000x128xf32, #tpu.memory_space<hbm>> -> memref<128x128xf32, #tpu.memory_space<hbm>>
          %dma_wait3A_271 = arith.constant 10000 : i32
          %dma_wait3A_272 = arith.constant 0 : i32
          %dma_wait3A_273 = tpu.memref_slice %arg6[%dma_wait3A_271, %dma_wait3A_272] : memref<330000x128xf32, #tpu.memory_space<hbm>> -> memref<128x128xf32, #tpu.memory_space<hbm>>
          tpu.wait_dma2 semaphore(%arg23 : memref<!tpu.dma_semaphore, #tpu.memory_space<semaphore_mem>>) src(%arg13 : memref<128x128xf32, #tpu.memory_space<vmem>>) dst(%dma_wait3A_273 : memref<128x128xf32, #tpu.memory_space<hbm>>)
        } else {
        }
        %add3A_260 = arith.constant 3 : i32
        %add3A_261 = arith.addi %add3A_135, %add3A_260 : i32
        %dma_start3A_262 = arith.constant 0 : i32
        %dma_start3A_263 = tpu.memref_slice %arg7[%add3A_261, %dma_start3A_262] : memref<80x128xi32, #tpu.memory_space<vmem>> -> memref<1x128xi32, #tpu.memory_space<vmem>>
        %dma_start3A_264 = tpu.memref_squeeze %dma_start3A_263 : memref<1x128xi32, #tpu.memory_space<vmem>> -> memref<128xi32, #tpu.memory_space<vmem>>
        %dma_start3A_265 = arith.constant 0 : i32
        %dma_start3A_266 = arith.constant 0 : i32
        %dma_start3A_267 = tpu.memref_slice %arg3[%dma_start3A_265, %dma_start3A_266] : memref<10000x128xf32, #tpu.memory_space<hbm>> -> memref<10000x128xf32, #tpu.memory_space<hbm>>
        tpu.enqueue_indirect_dma source(%dma_start3A_267 : memref<10000x128xf32, #tpu.memory_space<hbm>>) target(%arg13 : memref<128x128xf32, #tpu.memory_space<vmem>>) offsets(%dma_start3A_264 : memref<128xi32, #tpu.memory_space<vmem>>) semaphore(%arg18 : memref<!tpu.dma_semaphore, #tpu.memory_space<semaphore_mem>>)
      } else {
      }
      %add3A_142 = arith.constant 1 : i32
      %add3A_143 = arith.addi %add3A_135, %add3A_142 : i32
      %lt3A_144 = arith.cmpi slt, %add3A_143, %min3A_11 : i32
      %convert_element_type3A_145 = arith.extui %lt3A_144 : i1 to i32
      %cond3A_146 = arith.constant 0 : i32
      %cond3A_147 = arith.cmpi ne, %convert_element_type3A_145, %cond3A_146 : i32
      scf.if %cond3A_147 {
        %add3A_256 = arith.constant 1 : i32
        %add3A_257 = arith.addi %add3A_135, %add3A_256 : i32
        %dma_wait3A_258 = arith.constant 0 : i32
        %dma_wait3A_259 = tpu.memref_slice %arg7[%add3A_257, %dma_wait3A_258] : memref<80x128xi32, #tpu.memory_space<vmem>> -> memref<1x128xi32, #tpu.memory_space<vmem>>
        %dma_wait3A_260 = tpu.memref_squeeze %dma_wait3A_259 : memref<1x128xi32, #tpu.memory_space<vmem>> -> memref<128xi32, #tpu.memory_space<vmem>>
        %dma_wait3A_261 = arith.constant 0 : i32
        %dma_wait3A_262 = arith.constant 0 : i32
        %dma_wait3A_263 = tpu.memref_slice %arg3[%dma_wait3A_261, %dma_wait3A_262] : memref<10000x128xf32, #tpu.memory_space<hbm>> -> memref<10000x128xf32, #tpu.memory_space<hbm>>
        tpu.wait_indirect_dma semaphore(%arg16 : memref<!tpu.dma_semaphore, #tpu.memory_space<semaphore_mem>>) src(%dma_wait3A_263 : memref<10000x128xf32, #tpu.memory_space<hbm>>) dst(%arg11 : memref<128x128xf32, #tpu.memory_space<vmem>>)
        %add3A_264 = arith.constant 1 : i32
        %add3A_265 = arith.addi %add3A_135, %add3A_264 : i32
        %dma_start3A_266 = arith.constant 0 : i32
        %dma_start3A_267 = tpu.memref_slice %arg8[%add3A_265, %dma_start3A_266] : memref<80x128xi32, #tpu.memory_space<vmem>> -> memref<1x128xi32, #tpu.memory_space<vmem>>
        %dma_start3A_268 = tpu.memref_squeeze %dma_start3A_267 : memref<1x128xi32, #tpu.memory_space<vmem>> -> memref<128xi32, #tpu.memory_space<vmem>>
        %dma_start3A_269 = arith.constant 0 : i32
        %dma_start3A_270 = arith.constant 0 : i32
        %dma_start3A_271 = tpu.memref_slice %arg3[%dma_start3A_269, %dma_start3A_270] : memref<10000x128xf32, #tpu.memory_space<hbm>> -> memref<10000x128xf32, #tpu.memory_space<hbm>>
        tpu.enqueue_indirect_dma source(%dma_start3A_271 : memref<10000x128xf32, #tpu.memory_space<hbm>>) target(%arg11 : memref<128x128xf32, #tpu.memory_space<vmem>>) offsets(%dma_start3A_268 : memref<128xi32, #tpu.memory_space<vmem>>) semaphore(%arg16 : memref<!tpu.dma_semaphore, #tpu.memory_space<semaphore_mem>>) {add = true}
      } else {
      }
      %dma_wait3A_148 = arith.constant 0 : i32
      %dma_wait3A_149 = tpu.memref_slice %arg7[%add3A_135, %dma_wait3A_148] : memref<80x128xi32, #tpu.memory_space<vmem>> -> memref<1x128xi32, #tpu.memory_space<vmem>>
      %dma_wait3A_150 = tpu.memref_squeeze %dma_wait3A_149 : memref<1x128xi32, #tpu.memory_space<vmem>> -> memref<128xi32, #tpu.memory_space<vmem>>
      %dma_wait3A_151 = arith.constant 0 : i32
      %dma_wait3A_152 = arith.constant 0 : i32
      %dma_wait3A_153 = tpu.memref_slice %arg3[%dma_wait3A_151, %dma_wait3A_152] : memref<10000x128xf32, #tpu.memory_space<hbm>> -> memref<10000x128xf32, #tpu.memory_space<hbm>>
      tpu.wait_indirect_dma semaphore(%arg15 : memref<!tpu.dma_semaphore, #tpu.memory_space<semaphore_mem>>) src(%dma_wait3A_153 : memref<10000x128xf32, #tpu.memory_space<hbm>>) dst(%arg10 : memref<128x128xf32, #tpu.memory_space<vmem>>)
      %add3A_154 = arith.addi %mul3A_8, %add3A_135 : i32
      %mul3A_155 = arith.constant 128 : i32
      %mul3A_156 = arith.muli %add3A_154, %mul3A_155 : i32
      %add3A_157 = arith.constant 10000 : i32
      %add3A_158 = arith.addi %add3A_157, %mul3A_156 : i32
      %dma_start3A_159 = arith.constant 0 : i32
      %dma_start3A_160 = tpu.memref_slice %arg6[%add3A_158, %dma_start3A_159] : memref<330000x128xf32, #tpu.memory_space<hbm>> -> memref<128x128xf32, #tpu.memory_space<hbm>>
      %dma_start3A_161 = arith.constant 0 : i32
      %dma_start3A_162 = tpu.memref_slice %arg6[%add3A_158, %dma_start3A_161] : memref<330000x128xf32, #tpu.memory_space<hbm>> -> memref<128x128xf32, #tpu.memory_space<hbm>>
      tpu.enqueue_dma source(%arg10 : memref<128x128xf32, #tpu.memory_space<vmem>>) target(%dma_start3A_162 : memref<128x128xf32, #tpu.memory_space<hbm>>) target_semaphore(%arg20 : memref<!tpu.dma_semaphore, #tpu.memory_space<semaphore_mem>>)
      %mul3A_163 = arith.constant 5 : i32
      %mul3A_164 = arith.muli %while3A_101, %mul3A_163 : i32
      %add3A_165 = arith.constant 2 : i32
      %add3A_166 = arith.addi %mul3A_164, %add3A_165 : i32
      %add3A_167 = arith.constant 3 : i32
      %add3A_168 = arith.addi %add3A_166, %add3A_167 : i32
      %lt3A_169 = arith.cmpi slt, %add3A_168, %min3A_11 : i32
      %convert_element_type3A_170 = arith.extui %lt3A_169 : i1 to i32
      %cond3A_171 = arith.constant 0 : i32
      %cond3A_172 = arith.cmpi ne, %convert_element_type3A_170, %cond3A_171 : i32
      scf.if %cond3A_172 {
        %ge3A = arith.constant 2 : i32
        %ge3A_256 = arith.cmpi sge, %add3A_166, %ge3A : i32
        %convert_element_type3A_257 = arith.extui %ge3A_256 : i1 to i32
        %cond3A_258 = arith.constant 0 : i32
        %cond3A_259 = arith.cmpi ne, %convert_element_type3A_257, %cond3A_258 : i32
        scf.if %cond3A_259 {
          %dma_wait3A_268 = arith.constant 10000 : i32
          %dma_wait3A_269 = arith.constant 0 : i32
          %dma_wait3A_270 = tpu.memref_slice %arg6[%dma_wait3A_268, %dma_wait3A_269] : memref<330000x128xf32, #tpu.memory_space<hbm>> -> memref<128x128xf32, #tpu.memory_space<hbm>>
          %dma_wait3A_271 = arith.constant 10000 : i32
          %dma_wait3A_272 = arith.constant 0 : i32
          %dma_wait3A_273 = tpu.memref_slice %arg6[%dma_wait3A_271, %dma_wait3A_272] : memref<330000x128xf32, #tpu.memory_space<hbm>> -> memref<128x128xf32, #tpu.memory_space<hbm>>
          tpu.wait_dma2 semaphore(%arg19 : memref<!tpu.dma_semaphore, #tpu.memory_space<semaphore_mem>>) src(%arg9 : memref<128x128xf32, #tpu.memory_space<vmem>>) dst(%dma_wait3A_273 : memref<128x128xf32, #tpu.memory_space<hbm>>)
        } else {
        }
        %add3A_260 = arith.constant 3 : i32
        %add3A_261 = arith.addi %add3A_166, %add3A_260 : i32
        %dma_start3A_262 = arith.constant 0 : i32
        %dma_start3A_263 = tpu.memref_slice %arg7[%add3A_261, %dma_start3A_262] : memref<80x128xi32, #tpu.memory_space<vmem>> -> memref<1x128xi32, #tpu.memory_space<vmem>>
        %dma_start3A_264 = tpu.memref_squeeze %dma_start3A_263 : memref<1x128xi32, #tpu.memory_space<vmem>> -> memref<128xi32, #tpu.memory_space<vmem>>
        %dma_start3A_265 = arith.constant 0 : i32
        %dma_start3A_266 = arith.constant 0 : i32
        %dma_start3A_267 = tpu.memref_slice %arg3[%dma_start3A_265, %dma_start3A_266] : memref<10000x128xf32, #tpu.memory_space<hbm>> -> memref<10000x128xf32, #tpu.memory_space<hbm>>
        tpu.enqueue_indirect_dma source(%dma_start3A_267 : memref<10000x128xf32, #tpu.memory_space<hbm>>) target(%arg9 : memref<128x128xf32, #tpu.memory_space<vmem>>) offsets(%dma_start3A_264 : memref<128xi32, #tpu.memory_space<vmem>>) semaphore(%arg14 : memref<!tpu.dma_semaphore, #tpu.memory_space<semaphore_mem>>)
      } else {
      }
      %add3A_173 = arith.constant 1 : i32
      %add3A_174 = arith.addi %add3A_166, %add3A_173 : i32
      %lt3A_175 = arith.cmpi slt, %add3A_174, %min3A_11 : i32
      %convert_element_type3A_176 = arith.extui %lt3A_175 : i1 to i32
      %cond3A_177 = arith.constant 0 : i32
      %cond3A_178 = arith.cmpi ne, %convert_element_type3A_176, %cond3A_177 : i32
      scf.if %cond3A_178 {
        %add3A_256 = arith.constant 1 : i32
        %add3A_257 = arith.addi %add3A_166, %add3A_256 : i32
        %dma_wait3A_258 = arith.constant 0 : i32
        %dma_wait3A_259 = tpu.memref_slice %arg7[%add3A_257, %dma_wait3A_258] : memref<80x128xi32, #tpu.memory_space<vmem>> -> memref<1x128xi32, #tpu.memory_space<vmem>>
        %dma_wait3A_260 = tpu.memref_squeeze %dma_wait3A_259 : memref<1x128xi32, #tpu.memory_space<vmem>> -> memref<128xi32, #tpu.memory_space<vmem>>
        %dma_wait3A_261 = arith.constant 0 : i32
        %dma_wait3A_262 = arith.constant 0 : i32
        %dma_wait3A_263 = tpu.memref_slice %arg3[%dma_wait3A_261, %dma_wait3A_262] : memref<10000x128xf32, #tpu.memory_space<hbm>> -> memref<10000x128xf32, #tpu.memory_space<hbm>>
        tpu.wait_indirect_dma semaphore(%arg17 : memref<!tpu.dma_semaphore, #tpu.memory_space<semaphore_mem>>) src(%dma_wait3A_263 : memref<10000x128xf32, #tpu.memory_space<hbm>>) dst(%arg12 : memref<128x128xf32, #tpu.memory_space<vmem>>)
        %add3A_264 = arith.constant 1 : i32
        %add3A_265 = arith.addi %add3A_166, %add3A_264 : i32
        %dma_start3A_266 = arith.constant 0 : i32
        %dma_start3A_267 = tpu.memref_slice %arg8[%add3A_265, %dma_start3A_266] : memref<80x128xi32, #tpu.memory_space<vmem>> -> memref<1x128xi32, #tpu.memory_space<vmem>>
        %dma_start3A_268 = tpu.memref_squeeze %dma_start3A_267 : memref<1x128xi32, #tpu.memory_space<vmem>> -> memref<128xi32, #tpu.memory_space<vmem>>
        %dma_start3A_269 = arith.constant 0 : i32
        %dma_start3A_270 = arith.constant 0 : i32
        %dma_start3A_271 = tpu.memref_slice %arg3[%dma_start3A_269, %dma_start3A_270] : memref<10000x128xf32, #tpu.memory_space<hbm>> -> memref<10000x128xf32, #tpu.memory_space<hbm>>
        tpu.enqueue_indirect_dma source(%dma_start3A_271 : memref<10000x128xf32, #tpu.memory_space<hbm>>) target(%arg12 : memref<128x128xf32, #tpu.memory_space<vmem>>) offsets(%dma_start3A_268 : memref<128xi32, #tpu.memory_space<vmem>>) semaphore(%arg17 : memref<!tpu.dma_semaphore, #tpu.memory_space<semaphore_mem>>) {add = true}
      } else {
      }
      %dma_wait3A_179 = arith.constant 0 : i32
      %dma_wait3A_180 = tpu.memref_slice %arg7[%add3A_166, %dma_wait3A_179] : memref<80x128xi32, #tpu.memory_space<vmem>> -> memref<1x128xi32, #tpu.memory_space<vmem>>
      %dma_wait3A_181 = tpu.memref_squeeze %dma_wait3A_180 : memref<1x128xi32, #tpu.memory_space<vmem>> -> memref<128xi32, #tpu.memory_space<vmem>>
      %dma_wait3A_182 = arith.constant 0 : i32
      %dma_wait3A_183 = arith.constant 0 : i32
      %dma_wait3A_184 = tpu.memref_slice %arg3[%dma_wait3A_182, %dma_wait3A_183] : memref<10000x128xf32, #tpu.memory_space<hbm>> -> memref<10000x128xf32, #tpu.memory_space<hbm>>
      tpu.wait_indirect_dma semaphore(%arg16 : memref<!tpu.dma_semaphore, #tpu.memory_space<semaphore_mem>>) src(%dma_wait3A_184 : memref<10000x128xf32, #tpu.memory_space<hbm>>) dst(%arg11 : memref<128x128xf32, #tpu.memory_space<vmem>>)
      %add3A_185 = arith.addi %mul3A_8, %add3A_166 : i32
      %mul3A_186 = arith.constant 128 : i32
      %mul3A_187 = arith.muli %add3A_185, %mul3A_186 : i32
      %add3A_188 = arith.constant 10000 : i32
      %add3A_189 = arith.addi %add3A_188, %mul3A_187 : i32
      %dma_start3A_190 = arith.constant 0 : i32
      %dma_start3A_191 = tpu.memref_slice %arg6[%add3A_189, %dma_start3A_190] : memref<330000x128xf32, #tpu.memory_space<hbm>> -> memref<128x128xf32, #tpu.memory_space<hbm>>
      %dma_start3A_192 = arith.constant 0 : i32
      %dma_start3A_193 = tpu.memref_slice %arg6[%add3A_189, %dma_start3A_192] : memref<330000x128xf32, #tpu.memory_space<hbm>> -> memref<128x128xf32, #tpu.memory_space<hbm>>
      tpu.enqueue_dma source(%arg11 : memref<128x128xf32, #tpu.memory_space<vmem>>) target(%dma_start3A_193 : memref<128x128xf32, #tpu.memory_space<hbm>>) target_semaphore(%arg21 : memref<!tpu.dma_semaphore, #tpu.memory_space<semaphore_mem>>)
      %mul3A_194 = arith.constant 5 : i32
      %mul3A_195 = arith.muli %while3A_101, %mul3A_194 : i32
      %add3A_196 = arith.constant 3 : i32
      %add3A_197 = arith.addi %mul3A_195, %add3A_196 : i32
      %add3A_198 = arith.constant 3 : i32
      %add3A_199 = arith.addi %add3A_197, %add3A_198 : i32
      %lt3A_200 = arith.cmpi slt, %add3A_199, %min3A_11 : i32
      %convert_element_type3A_201 = arith.extui %lt3A_200 : i1 to i32
      %cond3A_202 = arith.constant 0 : i32
      %cond3A_203 = arith.cmpi ne, %convert_element_type3A_201, %cond3A_202 : i32
      scf.if %cond3A_203 {
        %ge3A = arith.constant 2 : i32
        %ge3A_256 = arith.cmpi sge, %add3A_197, %ge3A : i32
        %convert_element_type3A_257 = arith.extui %ge3A_256 : i1 to i32
        %cond3A_258 = arith.constant 0 : i32
        %cond3A_259 = arith.cmpi ne, %convert_element_type3A_257, %cond3A_258 : i32
        scf.if %cond3A_259 {
          %dma_wait3A_268 = arith.constant 10000 : i32
          %dma_wait3A_269 = arith.constant 0 : i32
          %dma_wait3A_270 = tpu.memref_slice %arg6[%dma_wait3A_268, %dma_wait3A_269] : memref<330000x128xf32, #tpu.memory_space<hbm>> -> memref<128x128xf32, #tpu.memory_space<hbm>>
          %dma_wait3A_271 = arith.constant 10000 : i32
          %dma_wait3A_272 = arith.constant 0 : i32
          %dma_wait3A_273 = tpu.memref_slice %arg6[%dma_wait3A_271, %dma_wait3A_272] : memref<330000x128xf32, #tpu.memory_space<hbm>> -> memref<128x128xf32, #tpu.memory_space<hbm>>
          tpu.wait_dma2 semaphore(%arg20 : memref<!tpu.dma_semaphore, #tpu.memory_space<semaphore_mem>>) src(%arg10 : memref<128x128xf32, #tpu.memory_space<vmem>>) dst(%dma_wait3A_273 : memref<128x128xf32, #tpu.memory_space<hbm>>)
        } else {
        }
        %add3A_260 = arith.constant 3 : i32
        %add3A_261 = arith.addi %add3A_197, %add3A_260 : i32
        %dma_start3A_262 = arith.constant 0 : i32
        %dma_start3A_263 = tpu.memref_slice %arg7[%add3A_261, %dma_start3A_262] : memref<80x128xi32, #tpu.memory_space<vmem>> -> memref<1x128xi32, #tpu.memory_space<vmem>>
        %dma_start3A_264 = tpu.memref_squeeze %dma_start3A_263 : memref<1x128xi32, #tpu.memory_space<vmem>> -> memref<128xi32, #tpu.memory_space<vmem>>
        %dma_start3A_265 = arith.constant 0 : i32
        %dma_start3A_266 = arith.constant 0 : i32
        %dma_start3A_267 = tpu.memref_slice %arg3[%dma_start3A_265, %dma_start3A_266] : memref<10000x128xf32, #tpu.memory_space<hbm>> -> memref<10000x128xf32, #tpu.memory_space<hbm>>
        tpu.enqueue_indirect_dma source(%dma_start3A_267 : memref<10000x128xf32, #tpu.memory_space<hbm>>) target(%arg10 : memref<128x128xf32, #tpu.memory_space<vmem>>) offsets(%dma_start3A_264 : memref<128xi32, #tpu.memory_space<vmem>>) semaphore(%arg15 : memref<!tpu.dma_semaphore, #tpu.memory_space<semaphore_mem>>)
      } else {
      }
      %add3A_204 = arith.constant 1 : i32
      %add3A_205 = arith.addi %add3A_197, %add3A_204 : i32
      %lt3A_206 = arith.cmpi slt, %add3A_205, %min3A_11 : i32
      %convert_element_type3A_207 = arith.extui %lt3A_206 : i1 to i32
      %cond3A_208 = arith.constant 0 : i32
      %cond3A_209 = arith.cmpi ne, %convert_element_type3A_207, %cond3A_208 : i32
      scf.if %cond3A_209 {
        %add3A_256 = arith.constant 1 : i32
        %add3A_257 = arith.addi %add3A_197, %add3A_256 : i32
        %dma_wait3A_258 = arith.constant 0 : i32
        %dma_wait3A_259 = tpu.memref_slice %arg7[%add3A_257, %dma_wait3A_258] : memref<80x128xi32, #tpu.memory_space<vmem>> -> memref<1x128xi32, #tpu.memory_space<vmem>>
        %dma_wait3A_260 = tpu.memref_squeeze %dma_wait3A_259 : memref<1x128xi32, #tpu.memory_space<vmem>> -> memref<128xi32, #tpu.memory_space<vmem>>
        %dma_wait3A_261 = arith.constant 0 : i32
        %dma_wait3A_262 = arith.constant 0 : i32
        %dma_wait3A_263 = tpu.memref_slice %arg3[%dma_wait3A_261, %dma_wait3A_262] : memref<10000x128xf32, #tpu.memory_space<hbm>> -> memref<10000x128xf32, #tpu.memory_space<hbm>>
        tpu.wait_indirect_dma semaphore(%arg18 : memref<!tpu.dma_semaphore, #tpu.memory_space<semaphore_mem>>) src(%dma_wait3A_263 : memref<10000x128xf32, #tpu.memory_space<hbm>>) dst(%arg13 : memref<128x128xf32, #tpu.memory_space<vmem>>)
        %add3A_264 = arith.constant 1 : i32
        %add3A_265 = arith.addi %add3A_197, %add3A_264 : i32
        %dma_start3A_266 = arith.constant 0 : i32
        %dma_start3A_267 = tpu.memref_slice %arg8[%add3A_265, %dma_start3A_266] : memref<80x128xi32, #tpu.memory_space<vmem>> -> memref<1x128xi32, #tpu.memory_space<vmem>>
        %dma_start3A_268 = tpu.memref_squeeze %dma_start3A_267 : memref<1x128xi32, #tpu.memory_space<vmem>> -> memref<128xi32, #tpu.memory_space<vmem>>
        %dma_start3A_269 = arith.constant 0 : i32
        %dma_start3A_270 = arith.constant 0 : i32
        %dma_start3A_271 = tpu.memref_slice %arg3[%dma_start3A_269, %dma_start3A_270] : memref<10000x128xf32, #tpu.memory_space<hbm>> -> memref<10000x128xf32, #tpu.memory_space<hbm>>
        tpu.enqueue_indirect_dma source(%dma_start3A_271 : memref<10000x128xf32, #tpu.memory_space<hbm>>) target(%arg13 : memref<128x128xf32, #tpu.memory_space<vmem>>) offsets(%dma_start3A_268 : memref<128xi32, #tpu.memory_space<vmem>>) semaphore(%arg18 : memref<!tpu.dma_semaphore, #tpu.memory_space<semaphore_mem>>) {add = true}
      } else {
      }
      %dma_wait3A_210 = arith.constant 0 : i32
      %dma_wait3A_211 = tpu.memref_slice %arg7[%add3A_197, %dma_wait3A_210] : memref<80x128xi32, #tpu.memory_space<vmem>> -> memref<1x128xi32, #tpu.memory_space<vmem>>
      %dma_wait3A_212 = tpu.memref_squeeze %dma_wait3A_211 : memref<1x128xi32, #tpu.memory_space<vmem>> -> memref<128xi32, #tpu.memory_space<vmem>>
      %dma_wait3A_213 = arith.constant 0 : i32
      %dma_wait3A_214 = arith.constant 0 : i32
      %dma_wait3A_215 = tpu.memref_slice %arg3[%dma_wait3A_213, %dma_wait3A_214] : memref<10000x128xf32, #tpu.memory_space<hbm>> -> memref<10000x128xf32, #tpu.memory_space<hbm>>
      tpu.wait_indirect_dma semaphore(%arg17 : memref<!tpu.dma_semaphore, #tpu.memory_space<semaphore_mem>>) src(%dma_wait3A_215 : memref<10000x128xf32, #tpu.memory_space<hbm>>) dst(%arg12 : memref<128x128xf32, #tpu.memory_space<vmem>>)
      %add3A_216 = arith.addi %mul3A_8, %add3A_197 : i32
      %mul3A_217 = arith.constant 128 : i32
      %mul3A_218 = arith.muli %add3A_216, %mul3A_217 : i32
      %add3A_219 = arith.constant 10000 : i32
      %add3A_220 = arith.addi %add3A_219, %mul3A_218 : i32
      %dma_start3A_221 = arith.constant 0 : i32
      %dma_start3A_222 = tpu.memref_slice %arg6[%add3A_220, %dma_start3A_221] : memref<330000x128xf32, #tpu.memory_space<hbm>> -> memref<128x128xf32, #tpu.memory_space<hbm>>
      %dma_start3A_223 = arith.constant 0 : i32
      %dma_start3A_224 = tpu.memref_slice %arg6[%add3A_220, %dma_start3A_223] : memref<330000x128xf32, #tpu.memory_space<hbm>> -> memref<128x128xf32, #tpu.memory_space<hbm>>
      tpu.enqueue_dma source(%arg12 : memref<128x128xf32, #tpu.memory_space<vmem>>) target(%dma_start3A_224 : memref<128x128xf32, #tpu.memory_space<hbm>>) target_semaphore(%arg22 : memref<!tpu.dma_semaphore, #tpu.memory_space<semaphore_mem>>)
      %mul3A_225 = arith.constant 5 : i32
      %mul3A_226 = arith.muli %while3A_101, %mul3A_225 : i32
      %add3A_227 = arith.constant 4 : i32
      %add3A_228 = arith.addi %mul3A_226, %add3A_227 : i32
      %add3A_229 = arith.constant 3 : i32
      %add3A_230 = arith.addi %add3A_228, %add3A_229 : i32
      %lt3A_231 = arith.cmpi slt, %add3A_230, %min3A_11 : i32
      %convert_element_type3A_232 = arith.extui %lt3A_231 : i1 to i32
      %cond3A_233 = arith.constant 0 : i32
      %cond3A_234 = arith.cmpi ne, %convert_element_type3A_232, %cond3A_233 : i32
      scf.if %cond3A_234 {
        %ge3A = arith.constant 2 : i32
        %ge3A_256 = arith.cmpi sge, %add3A_228, %ge3A : i32
        %convert_element_type3A_257 = arith.extui %ge3A_256 : i1 to i32
        %cond3A_258 = arith.constant 0 : i32
        %cond3A_259 = arith.cmpi ne, %convert_element_type3A_257, %cond3A_258 : i32
        scf.if %cond3A_259 {
          %dma_wait3A_268 = arith.constant 10000 : i32
          %dma_wait3A_269 = arith.constant 0 : i32
          %dma_wait3A_270 = tpu.memref_slice %arg6[%dma_wait3A_268, %dma_wait3A_269] : memref<330000x128xf32, #tpu.memory_space<hbm>> -> memref<128x128xf32, #tpu.memory_space<hbm>>
          %dma_wait3A_271 = arith.constant 10000 : i32
          %dma_wait3A_272 = arith.constant 0 : i32
          %dma_wait3A_273 = tpu.memref_slice %arg6[%dma_wait3A_271, %dma_wait3A_272] : memref<330000x128xf32, #tpu.memory_space<hbm>> -> memref<128x128xf32, #tpu.memory_space<hbm>>
          tpu.wait_dma2 semaphore(%arg21 : memref<!tpu.dma_semaphore, #tpu.memory_space<semaphore_mem>>) src(%arg11 : memref<128x128xf32, #tpu.memory_space<vmem>>) dst(%dma_wait3A_273 : memref<128x128xf32, #tpu.memory_space<hbm>>)
        } else {
        }
        %add3A_260 = arith.constant 3 : i32
        %add3A_261 = arith.addi %add3A_228, %add3A_260 : i32
        %dma_start3A_262 = arith.constant 0 : i32
        %dma_start3A_263 = tpu.memref_slice %arg7[%add3A_261, %dma_start3A_262] : memref<80x128xi32, #tpu.memory_space<vmem>> -> memref<1x128xi32, #tpu.memory_space<vmem>>
        %dma_start3A_264 = tpu.memref_squeeze %dma_start3A_263 : memref<1x128xi32, #tpu.memory_space<vmem>> -> memref<128xi32, #tpu.memory_space<vmem>>
        %dma_start3A_265 = arith.constant 0 : i32
        %dma_start3A_266 = arith.constant 0 : i32
        %dma_start3A_267 = tpu.memref_slice %arg3[%dma_start3A_265, %dma_start3A_266] : memref<10000x128xf32, #tpu.memory_space<hbm>> -> memref<10000x128xf32, #tpu.memory_space<hbm>>
        tpu.enqueue_indirect_dma source(%dma_start3A_267 : memref<10000x128xf32, #tpu.memory_space<hbm>>) target(%arg11 : memref<128x128xf32, #tpu.memory_space<vmem>>) offsets(%dma_start3A_264 : memref<128xi32, #tpu.memory_space<vmem>>) semaphore(%arg16 : memref<!tpu.dma_semaphore, #tpu.memory_space<semaphore_mem>>)
      } else {
      }
      %add3A_235 = arith.constant 1 : i32
      %add3A_236 = arith.addi %add3A_228, %add3A_235 : i32
      %lt3A_237 = arith.cmpi slt, %add3A_236, %min3A_11 : i32
      %convert_element_type3A_238 = arith.extui %lt3A_237 : i1 to i32
      %cond3A_239 = arith.constant 0 : i32
      %cond3A_240 = arith.cmpi ne, %convert_element_type3A_238, %cond3A_239 : i32
      scf.if %cond3A_240 {
        %add3A_256 = arith.constant 1 : i32
        %add3A_257 = arith.addi %add3A_228, %add3A_256 : i32
        %dma_wait3A_258 = arith.constant 0 : i32
        %dma_wait3A_259 = tpu.memref_slice %arg7[%add3A_257, %dma_wait3A_258] : memref<80x128xi32, #tpu.memory_space<vmem>> -> memref<1x128xi32, #tpu.memory_space<vmem>>
        %dma_wait3A_260 = tpu.memref_squeeze %dma_wait3A_259 : memref<1x128xi32, #tpu.memory_space<vmem>> -> memref<128xi32, #tpu.memory_space<vmem>>
        %dma_wait3A_261 = arith.constant 0 : i32
        %dma_wait3A_262 = arith.constant 0 : i32
        %dma_wait3A_263 = tpu.memref_slice %arg3[%dma_wait3A_261, %dma_wait3A_262] : memref<10000x128xf32, #tpu.memory_space<hbm>> -> memref<10000x128xf32, #tpu.memory_space<hbm>>
        tpu.wait_indirect_dma semaphore(%arg14 : memref<!tpu.dma_semaphore, #tpu.memory_space<semaphore_mem>>) src(%dma_wait3A_263 : memref<10000x128xf32, #tpu.memory_space<hbm>>) dst(%arg9 : memref<128x128xf32, #tpu.memory_space<vmem>>)
        %add3A_264 = arith.constant 1 : i32
        %add3A_265 = arith.addi %add3A_228, %add3A_264 : i32
        %dma_start3A_266 = arith.constant 0 : i32
        %dma_start3A_267 = tpu.memref_slice %arg8[%add3A_265, %dma_start3A_266] : memref<80x128xi32, #tpu.memory_space<vmem>> -> memref<1x128xi32, #tpu.memory_space<vmem>>
        %dma_start3A_268 = tpu.memref_squeeze %dma_start3A_267 : memref<1x128xi32, #tpu.memory_space<vmem>> -> memref<128xi32, #tpu.memory_space<vmem>>
        %dma_start3A_269 = arith.constant 0 : i32
        %dma_start3A_270 = arith.constant 0 : i32
        %dma_start3A_271 = tpu.memref_slice %arg3[%dma_start3A_269, %dma_start3A_270] : memref<10000x128xf32, #tpu.memory_space<hbm>> -> memref<10000x128xf32, #tpu.memory_space<hbm>>
        tpu.enqueue_indirect_dma source(%dma_start3A_271 : memref<10000x128xf32, #tpu.memory_space<hbm>>) target(%arg9 : memref<128x128xf32, #tpu.memory_space<vmem>>) offsets(%dma_start3A_268 : memref<128xi32, #tpu.memory_space<vmem>>) semaphore(%arg14 : memref<!tpu.dma_semaphore, #tpu.memory_space<semaphore_mem>>) {add = true}
      } else {
      }
      %dma_wait3A_241 = arith.constant 0 : i32
      %dma_wait3A_242 = tpu.memref_slice %arg7[%add3A_228, %dma_wait3A_241] : memref<80x128xi32, #tpu.memory_space<vmem>> -> memref<1x128xi32, #tpu.memory_space<vmem>>
      %dma_wait3A_243 = tpu.memref_squeeze %dma_wait3A_242 : memref<1x128xi32, #tpu.memory_space<vmem>> -> memref<128xi32, #tpu.memory_space<vmem>>
      %dma_wait3A_244 = arith.constant 0 : i32
      %dma_wait3A_245 = arith.constant 0 : i32
      %dma_wait3A_246 = tpu.memref_slice %arg3[%dma_wait3A_244, %dma_wait3A_245] : memref<10000x128xf32, #tpu.memory_space<hbm>> -> memref<10000x128xf32, #tpu.memory_space<hbm>>
      tpu.wait_indirect_dma semaphore(%arg18 : memref<!tpu.dma_semaphore, #tpu.memory_space<semaphore_mem>>) src(%dma_wait3A_246 : memref<10000x128xf32, #tpu.memory_space<hbm>>) dst(%arg13 : memref<128x128xf32, #tpu.memory_space<vmem>>)
      %add3A_247 = arith.addi %mul3A_8, %add3A_228 : i32
      %mul3A_248 = arith.constant 128 : i32
      %mul3A_249 = arith.muli %add3A_247, %mul3A_248 : i32
      %add3A_250 = arith.constant 10000 : i32
      %add3A_251 = arith.addi %add3A_250, %mul3A_249 : i32
      %dma_start3A_252 = arith.constant 0 : i32
      %dma_start3A_253 = tpu.memref_slice %arg6[%add3A_251, %dma_start3A_252] : memref<330000x128xf32, #tpu.memory_space<hbm>> -> memref<128x128xf32, #tpu.memory_space<hbm>>
      %dma_start3A_254 = arith.constant 0 : i32
      %dma_start3A_255 = tpu.memref_slice %arg6[%add3A_251, %dma_start3A_254] : memref<330000x128xf32, #tpu.memory_space<hbm>> -> memref<128x128xf32, #tpu.memory_space<hbm>>
      tpu.enqueue_dma source(%arg13 : memref<128x128xf32, #tpu.memory_space<vmem>>) target(%dma_start3A_255 : memref<128x128xf32, #tpu.memory_space<hbm>>) target_semaphore(%arg23 : memref<!tpu.dma_semaphore, #tpu.memory_space<semaphore_mem>>)
    }
    %while3A_70 = arith.constant 1 : i32
    scf.for %while3A_101 = %while3A_68 to %while3A_64 step %while3A_70  : i32 {
      %mul3A_102 = arith.constant 5 : i32
      %mul3A_103 = arith.muli %while3A_101, %mul3A_102 : i32
      %add3A_104 = arith.constant 0 : i32
      %add3A_105 = arith.addi %mul3A_103, %add3A_104 : i32
      %add3A_106 = arith.constant 3 : i32
      %add3A_107 = arith.addi %add3A_105, %add3A_106 : i32
      %lt3A = arith.cmpi slt, %add3A_107, %min3A_11 : i32
      %convert_element_type3A_108 = arith.extui %lt3A : i1 to i32
      %cond3A_109 = arith.constant 0 : i32
      %cond3A_110 = arith.cmpi ne, %convert_element_type3A_108, %cond3A_109 : i32
      scf.if %cond3A_110 {
        %ge3A = arith.constant 2 : i32
        %ge3A_256 = arith.cmpi sge, %add3A_105, %ge3A : i32
        %convert_element_type3A_257 = arith.extui %ge3A_256 : i1 to i32
        %cond3A_258 = arith.constant 0 : i32
        %cond3A_259 = arith.cmpi ne, %convert_element_type3A_257, %cond3A_258 : i32
        scf.if %cond3A_259 {
          %dma_wait3A_268 = arith.constant 10000 : i32
          %dma_wait3A_269 = arith.constant 0 : i32
          %dma_wait3A_270 = tpu.memref_slice %arg6[%dma_wait3A_268, %dma_wait3A_269] : memref<330000x128xf32, #tpu.memory_space<hbm>> -> memref<128x128xf32, #tpu.memory_space<hbm>>
          %dma_wait3A_271 = arith.constant 10000 : i32
          %dma_wait3A_272 = arith.constant 0 : i32
          %dma_wait3A_273 = tpu.memref_slice %arg6[%dma_wait3A_271, %dma_wait3A_272] : memref<330000x128xf32, #tpu.memory_space<hbm>> -> memref<128x128xf32, #tpu.memory_space<hbm>>
          tpu.wait_dma2 semaphore(%arg22 : memref<!tpu.dma_semaphore, #tpu.memory_space<semaphore_mem>>) src(%arg12 : memref<128x128xf32, #tpu.memory_space<vmem>>) dst(%dma_wait3A_273 : memref<128x128xf32, #tpu.memory_space<hbm>>)
        } else {
        }
        %add3A_260 = arith.constant 3 : i32
        %add3A_261 = arith.addi %add3A_105, %add3A_260 : i32
        %dma_start3A_262 = arith.constant 0 : i32
        %dma_start3A_263 = tpu.memref_slice %arg7[%add3A_261, %dma_start3A_262] : memref<80x128xi32, #tpu.memory_space<vmem>> -> memref<1x128xi32, #tpu.memory_space<vmem>>
        %dma_start3A_264 = tpu.memref_squeeze %dma_start3A_263 : memref<1x128xi32, #tpu.memory_space<vmem>> -> memref<128xi32, #tpu.memory_space<vmem>>
        %dma_start3A_265 = arith.constant 0 : i32
        %dma_start3A_266 = arith.constant 0 : i32
        %dma_start3A_267 = tpu.memref_slice %arg3[%dma_start3A_265, %dma_start3A_266] : memref<10000x128xf32, #tpu.memory_space<hbm>> -> memref<10000x128xf32, #tpu.memory_space<hbm>>
        tpu.enqueue_indirect_dma source(%dma_start3A_267 : memref<10000x128xf32, #tpu.memory_space<hbm>>) target(%arg12 : memref<128x128xf32, #tpu.memory_space<vmem>>) offsets(%dma_start3A_264 : memref<128xi32, #tpu.memory_space<vmem>>) semaphore(%arg17 : memref<!tpu.dma_semaphore, #tpu.memory_space<semaphore_mem>>)
      } else {
      }
      %add3A_111 = arith.constant 1 : i32
      %add3A_112 = arith.addi %add3A_105, %add3A_111 : i32
      %lt3A_113 = arith.cmpi slt, %add3A_112, %min3A_11 : i32
      %convert_element_type3A_114 = arith.extui %lt3A_113 : i1 to i32
      %cond3A_115 = arith.constant 0 : i32
      %cond3A_116 = arith.cmpi ne, %convert_element_type3A_114, %cond3A_115 : i32
      scf.if %cond3A_116 {
        %add3A_256 = arith.constant 1 : i32
        %add3A_257 = arith.addi %add3A_105, %add3A_256 : i32
        %dma_wait3A_258 = arith.constant 0 : i32
        %dma_wait3A_259 = tpu.memref_slice %arg7[%add3A_257, %dma_wait3A_258] : memref<80x128xi32, #tpu.memory_space<vmem>> -> memref<1x128xi32, #tpu.memory_space<vmem>>
        %dma_wait3A_260 = tpu.memref_squeeze %dma_wait3A_259 : memref<1x128xi32, #tpu.memory_space<vmem>> -> memref<128xi32, #tpu.memory_space<vmem>>
        %dma_wait3A_261 = arith.constant 0 : i32
        %dma_wait3A_262 = arith.constant 0 : i32
        %dma_wait3A_263 = tpu.memref_slice %arg3[%dma_wait3A_261, %dma_wait3A_262] : memref<10000x128xf32, #tpu.memory_space<hbm>> -> memref<10000x128xf32, #tpu.memory_space<hbm>>
        tpu.wait_indirect_dma semaphore(%arg15 : memref<!tpu.dma_semaphore, #tpu.memory_space<semaphore_mem>>) src(%dma_wait3A_263 : memref<10000x128xf32, #tpu.memory_space<hbm>>) dst(%arg10 : memref<128x128xf32, #tpu.memory_space<vmem>>)
        %add3A_264 = arith.constant 1 : i32
        %add3A_265 = arith.addi %add3A_105, %add3A_264 : i32
        %dma_start3A_266 = arith.constant 0 : i32
        %dma_start3A_267 = tpu.memref_slice %arg8[%add3A_265, %dma_start3A_266] : memref<80x128xi32, #tpu.memory_space<vmem>> -> memref<1x128xi32, #tpu.memory_space<vmem>>
        %dma_start3A_268 = tpu.memref_squeeze %dma_start3A_267 : memref<1x128xi32, #tpu.memory_space<vmem>> -> memref<128xi32, #tpu.memory_space<vmem>>
        %dma_start3A_269 = arith.constant 0 : i32
        %dma_start3A_270 = arith.constant 0 : i32
        %dma_start3A_271 = tpu.memref_slice %arg3[%dma_start3A_269, %dma_start3A_270] : memref<10000x128xf32, #tpu.memory_space<hbm>> -> memref<10000x128xf32, #tpu.memory_space<hbm>>
        tpu.enqueue_indirect_dma source(%dma_start3A_271 : memref<10000x128xf32, #tpu.memory_space<hbm>>) target(%arg10 : memref<128x128xf32, #tpu.memory_space<vmem>>) offsets(%dma_start3A_268 : memref<128xi32, #tpu.memory_space<vmem>>) semaphore(%arg15 : memref<!tpu.dma_semaphore, #tpu.memory_space<semaphore_mem>>) {add = true}
      } else {
      }
      %dma_wait3A_117 = arith.constant 0 : i32
      %dma_wait3A_118 = tpu.memref_slice %arg7[%add3A_105, %dma_wait3A_117] : memref<80x128xi32, #tpu.memory_space<vmem>> -> memref<1x128xi32, #tpu.memory_space<vmem>>
      %dma_wait3A_119 = tpu.memref_squeeze %dma_wait3A_118 : memref<1x128xi32, #tpu.memory_space<vmem>> -> memref<128xi32, #tpu.memory_space<vmem>>
      %dma_wait3A_120 = arith.constant 0 : i32
      %dma_wait3A_121 = arith.constant 0 : i32
      %dma_wait3A_122 = tpu.memref_slice %arg3[%dma_wait3A_120, %dma_wait3A_121] : memref<10000x128xf32, #tpu.memory_space<hbm>> -> memref<10000x128xf32, #tpu.memory_space<hbm>>
      tpu.wait_indirect_dma semaphore(%arg14 : memref<!tpu.dma_semaphore, #tpu.memory_space<semaphore_mem>>) src(%dma_wait3A_122 : memref<10000x128xf32, #tpu.memory_space<hbm>>) dst(%arg9 : memref<128x128xf32, #tpu.memory_space<vmem>>)
      %add3A_123 = arith.addi %mul3A_8, %add3A_105 : i32
      %mul3A_124 = arith.constant 128 : i32
      %mul3A_125 = arith.muli %add3A_123, %mul3A_124 : i32
      %add3A_126 = arith.constant 10000 : i32
      %add3A_127 = arith.addi %add3A_126, %mul3A_125 : i32
      %dma_start3A_128 = arith.constant 0 : i32
      %dma_start3A_129 = tpu.memref_slice %arg6[%add3A_127, %dma_start3A_128] : memref<330000x128xf32, #tpu.memory_space<hbm>> -> memref<128x128xf32, #tpu.memory_space<hbm>>
      %dma_start3A_130 = arith.constant 0 : i32
      %dma_start3A_131 = tpu.memref_slice %arg6[%add3A_127, %dma_start3A_130] : memref<330000x128xf32, #tpu.memory_space<hbm>> -> memref<128x128xf32, #tpu.memory_space<hbm>>
      tpu.enqueue_dma source(%arg9 : memref<128x128xf32, #tpu.memory_space<vmem>>) target(%dma_start3A_131 : memref<128x128xf32, #tpu.memory_space<hbm>>) target_semaphore(%arg19 : memref<!tpu.dma_semaphore, #tpu.memory_space<semaphore_mem>>)
      %mul3A_132 = arith.constant 5 : i32
      %mul3A_133 = arith.muli %while3A_101, %mul3A_132 : i32
      %add3A_134 = arith.constant 1 : i32
      %add3A_135 = arith.addi %mul3A_133, %add3A_134 : i32
      %add3A_136 = arith.constant 3 : i32
      %add3A_137 = arith.addi %add3A_135, %add3A_136 : i32
      %lt3A_138 = arith.cmpi slt, %add3A_137, %min3A_11 : i32
      %convert_element_type3A_139 = arith.extui %lt3A_138 : i1 to i32
      %cond3A_140 = arith.constant 0 : i32
      %cond3A_141 = arith.cmpi ne, %convert_element_type3A_139, %cond3A_140 : i32
      scf.if %cond3A_141 {
        %ge3A = arith.constant 2 : i32
        %ge3A_256 = arith.cmpi sge, %add3A_135, %ge3A : i32
        %convert_element_type3A_257 = arith.extui %ge3A_256 : i1 to i32
        %cond3A_258 = arith.constant 0 : i32
        %cond3A_259 = arith.cmpi ne, %convert_element_type3A_257, %cond3A_258 : i32
        scf.if %cond3A_259 {
          %dma_wait3A_268 = arith.constant 10000 : i32
          %dma_wait3A_269 = arith.constant 0 : i32
          %dma_wait3A_270 = tpu.memref_slice %arg6[%dma_wait3A_268, %dma_wait3A_269] : memref<330000x128xf32, #tpu.memory_space<hbm>> -> memref<128x128xf32, #tpu.memory_space<hbm>>
          %dma_wait3A_271 = arith.constant 10000 : i32
          %dma_wait3A_272 = arith.constant 0 : i32
          %dma_wait3A_273 = tpu.memref_slice %arg6[%dma_wait3A_271, %dma_wait3A_272] : memref<330000x128xf32, #tpu.memory_space<hbm>> -> memref<128x128xf32, #tpu.memory_space<hbm>>
          tpu.wait_dma2 semaphore(%arg23 : memref<!tpu.dma_semaphore, #tpu.memory_space<semaphore_mem>>) src(%arg13 : memref<128x128xf32, #tpu.memory_space<vmem>>) dst(%dma_wait3A_273 : memref<128x128xf32, #tpu.memory_space<hbm>>)
        } else {
        }
        %add3A_260 = arith.constant 3 : i32
        %add3A_261 = arith.addi %add3A_135, %add3A_260 : i32
        %dma_start3A_262 = arith.constant 0 : i32
        %dma_start3A_263 = tpu.memref_slice %arg7[%add3A_261, %dma_start3A_262] : memref<80x128xi32, #tpu.memory_space<vmem>> -> memref<1x128xi32, #tpu.memory_space<vmem>>
        %dma_start3A_264 = tpu.memref_squeeze %dma_start3A_263 : memref<1x128xi32, #tpu.memory_space<vmem>> -> memref<128xi32, #tpu.memory_space<vmem>>
        %dma_start3A_265 = arith.constant 0 : i32
        %dma_start3A_266 = arith.constant 0 : i32
        %dma_start3A_267 = tpu.memref_slice %arg3[%dma_start3A_265, %dma_start3A_266] : memref<10000x128xf32, #tpu.memory_space<hbm>> -> memref<10000x128xf32, #tpu.memory_space<hbm>>
        tpu.enqueue_indirect_dma source(%dma_start3A_267 : memref<10000x128xf32, #tpu.memory_space<hbm>>) target(%arg13 : memref<128x128xf32, #tpu.memory_space<vmem>>) offsets(%dma_start3A_264 : memref<128xi32, #tpu.memory_space<vmem>>) semaphore(%arg18 : memref<!tpu.dma_semaphore, #tpu.memory_space<semaphore_mem>>)
      } else {
      }
      %add3A_142 = arith.constant 1 : i32
      %add3A_143 = arith.addi %add3A_135, %add3A_142 : i32
      %lt3A_144 = arith.cmpi slt, %add3A_143, %min3A_11 : i32
      %convert_element_type3A_145 = arith.extui %lt3A_144 : i1 to i32
      %cond3A_146 = arith.constant 0 : i32
      %cond3A_147 = arith.cmpi ne, %convert_element_type3A_145, %cond3A_146 : i32
      scf.if %cond3A_147 {
        %add3A_256 = arith.constant 1 : i32
        %add3A_257 = arith.addi %add3A_135, %add3A_256 : i32
        %dma_wait3A_258 = arith.constant 0 : i32
        %dma_wait3A_259 = tpu.memref_slice %arg7[%add3A_257, %dma_wait3A_258] : memref<80x128xi32, #tpu.memory_space<vmem>> -> memref<1x128xi32, #tpu.memory_space<vmem>>
        %dma_wait3A_260 = tpu.memref_squeeze %dma_wait3A_259 : memref<1x128xi32, #tpu.memory_space<vmem>> -> memref<128xi32, #tpu.memory_space<vmem>>
        %dma_wait3A_261 = arith.constant 0 : i32
        %dma_wait3A_262 = arith.constant 0 : i32
        %dma_wait3A_263 = tpu.memref_slice %arg3[%dma_wait3A_261, %dma_wait3A_262] : memref<10000x128xf32, #tpu.memory_space<hbm>> -> memref<10000x128xf32, #tpu.memory_space<hbm>>
        tpu.wait_indirect_dma semaphore(%arg16 : memref<!tpu.dma_semaphore, #tpu.memory_space<semaphore_mem>>) src(%dma_wait3A_263 : memref<10000x128xf32, #tpu.memory_space<hbm>>) dst(%arg11 : memref<128x128xf32, #tpu.memory_space<vmem>>)
        %add3A_264 = arith.constant 1 : i32
        %add3A_265 = arith.addi %add3A_135, %add3A_264 : i32
        %dma_start3A_266 = arith.constant 0 : i32
        %dma_start3A_267 = tpu.memref_slice %arg8[%add3A_265, %dma_start3A_266] : memref<80x128xi32, #tpu.memory_space<vmem>> -> memref<1x128xi32, #tpu.memory_space<vmem>>
        %dma_start3A_268 = tpu.memref_squeeze %dma_start3A_267 : memref<1x128xi32, #tpu.memory_space<vmem>> -> memref<128xi32, #tpu.memory_space<vmem>>
        %dma_start3A_269 = arith.constant 0 : i32
        %dma_start3A_270 = arith.constant 0 : i32
        %dma_start3A_271 = tpu.memref_slice %arg3[%dma_start3A_269, %dma_start3A_270] : memref<10000x128xf32, #tpu.memory_space<hbm>> -> memref<10000x128xf32, #tpu.memory_space<hbm>>
        tpu.enqueue_indirect_dma source(%dma_start3A_271 : memref<10000x128xf32, #tpu.memory_space<hbm>>) target(%arg11 : memref<128x128xf32, #tpu.memory_space<vmem>>) offsets(%dma_start3A_268 : memref<128xi32, #tpu.memory_space<vmem>>) semaphore(%arg16 : memref<!tpu.dma_semaphore, #tpu.memory_space<semaphore_mem>>) {add = true}
      } else {
      }
      %dma_wait3A_148 = arith.constant 0 : i32
      %dma_wait3A_149 = tpu.memref_slice %arg7[%add3A_135, %dma_wait3A_148] : memref<80x128xi32, #tpu.memory_space<vmem>> -> memref<1x128xi32, #tpu.memory_space<vmem>>
      %dma_wait3A_150 = tpu.memref_squeeze %dma_wait3A_149 : memref<1x128xi32, #tpu.memory_space<vmem>> -> memref<128xi32, #tpu.memory_space<vmem>>
      %dma_wait3A_151 = arith.constant 0 : i32
      %dma_wait3A_152 = arith.constant 0 : i32
      %dma_wait3A_153 = tpu.memref_slice %arg3[%dma_wait3A_151, %dma_wait3A_152] : memref<10000x128xf32, #tpu.memory_space<hbm>> -> memref<10000x128xf32, #tpu.memory_space<hbm>>
      tpu.wait_indirect_dma semaphore(%arg15 : memref<!tpu.dma_semaphore, #tpu.memory_space<semaphore_mem>>) src(%dma_wait3A_153 : memref<10000x128xf32, #tpu.memory_space<hbm>>) dst(%arg10 : memref<128x128xf32, #tpu.memory_space<vmem>>)
      %add3A_154 = arith.addi %mul3A_8, %add3A_135 : i32
      %mul3A_155 = arith.constant 128 : i32
      %mul3A_156 = arith.muli %add3A_154, %mul3A_155 : i32
      %add3A_157 = arith.constant 10000 : i32
      %add3A_158 = arith.addi %add3A_157, %mul3A_156 : i32
      %dma_start3A_159 = arith.constant 0 : i32
      %dma_start3A_160 = tpu.memref_slice %arg6[%add3A_158, %dma_start3A_159] : memref<330000x128xf32, #tpu.memory_space<hbm>> -> memref<128x128xf32, #tpu.memory_space<hbm>>
      %dma_start3A_161 = arith.constant 0 : i32
      %dma_start3A_162 = tpu.memref_slice %arg6[%add3A_158, %dma_start3A_161] : memref<330000x128xf32, #tpu.memory_space<hbm>> -> memref<128x128xf32, #tpu.memory_space<hbm>>
      tpu.enqueue_dma source(%arg10 : memref<128x128xf32, #tpu.memory_space<vmem>>) target(%dma_start3A_162 : memref<128x128xf32, #tpu.memory_space<hbm>>) target_semaphore(%arg20 : memref<!tpu.dma_semaphore, #tpu.memory_space<semaphore_mem>>)
      %mul3A_163 = arith.constant 5 : i32
      %mul3A_164 = arith.muli %while3A_101, %mul3A_163 : i32
      %add3A_165 = arith.constant 2 : i32
      %add3A_166 = arith.addi %mul3A_164, %add3A_165 : i32
      %add3A_167 = arith.constant 3 : i32
      %add3A_168 = arith.addi %add3A_166, %add3A_167 : i32
      %lt3A_169 = arith.cmpi slt, %add3A_168, %min3A_11 : i32
      %convert_element_type3A_170 = arith.extui %lt3A_169 : i1 to i32
      %cond3A_171 = arith.constant 0 : i32
      %cond3A_172 = arith.cmpi ne, %convert_element_type3A_170, %cond3A_171 : i32
      scf.if %cond3A_172 {
        %ge3A = arith.constant 2 : i32
        %ge3A_256 = arith.cmpi sge, %add3A_166, %ge3A : i32
        %convert_element_type3A_257 = arith.extui %ge3A_256 : i1 to i32
        %cond3A_258 = arith.constant 0 : i32
        %cond3A_259 = arith.cmpi ne, %convert_element_type3A_257, %cond3A_258 : i32
        scf.if %cond3A_259 {
          %dma_wait3A_268 = arith.constant 10000 : i32
          %dma_wait3A_269 = arith.constant 0 : i32
          %dma_wait3A_270 = tpu.memref_slice %arg6[%dma_wait3A_268, %dma_wait3A_269] : memref<330000x128xf32, #tpu.memory_space<hbm>> -> memref<128x128xf32, #tpu.memory_space<hbm>>
          %dma_wait3A_271 = arith.constant 10000 : i32
          %dma_wait3A_272 = arith.constant 0 : i32
          %dma_wait3A_273 = tpu.memref_slice %arg6[%dma_wait3A_271, %dma_wait3A_272] : memref<330000x128xf32, #tpu.memory_space<hbm>> -> memref<128x128xf32, #tpu.memory_space<hbm>>
          tpu.wait_dma2 semaphore(%arg19 : memref<!tpu.dma_semaphore, #tpu.memory_space<semaphore_mem>>) src(%arg9 : memref<128x128xf32, #tpu.memory_space<vmem>>) dst(%dma_wait3A_273 : memref<128x128xf32, #tpu.memory_space<hbm>>)
        } else {
        }
        %add3A_260 = arith.constant 3 : i32
        %add3A_261 = arith.addi %add3A_166, %add3A_260 : i32
        %dma_start3A_262 = arith.constant 0 : i32
        %dma_start3A_263 = tpu.memref_slice %arg7[%add3A_261, %dma_start3A_262] : memref<80x128xi32, #tpu.memory_space<vmem>> -> memref<1x128xi32, #tpu.memory_space<vmem>>
        %dma_start3A_264 = tpu.memref_squeeze %dma_start3A_263 : memref<1x128xi32, #tpu.memory_space<vmem>> -> memref<128xi32, #tpu.memory_space<vmem>>
        %dma_start3A_265 = arith.constant 0 : i32
        %dma_start3A_266 = arith.constant 0 : i32
        %dma_start3A_267 = tpu.memref_slice %arg3[%dma_start3A_265, %dma_start3A_266] : memref<10000x128xf32, #tpu.memory_space<hbm>> -> memref<10000x128xf32, #tpu.memory_space<hbm>>
        tpu.enqueue_indirect_dma source(%dma_start3A_267 : memref<10000x128xf32, #tpu.memory_space<hbm>>) target(%arg9 : memref<128x128xf32, #tpu.memory_space<vmem>>) offsets(%dma_start3A_264 : memref<128xi32, #tpu.memory_space<vmem>>) semaphore(%arg14 : memref<!tpu.dma_semaphore, #tpu.memory_space<semaphore_mem>>)
      } else {
      }
      %add3A_173 = arith.constant 1 : i32
      %add3A_174 = arith.addi %add3A_166, %add3A_173 : i32
      %lt3A_175 = arith.cmpi slt, %add3A_174, %min3A_11 : i32
      %convert_element_type3A_176 = arith.extui %lt3A_175 : i1 to i32
      %cond3A_177 = arith.constant 0 : i32
      %cond3A_178 = arith.cmpi ne, %convert_element_type3A_176, %cond3A_177 : i32
      scf.if %cond3A_178 {
        %add3A_256 = arith.constant 1 : i32
        %add3A_257 = arith.addi %add3A_166, %add3A_256 : i32
        %dma_wait3A_258 = arith.constant 0 : i32
        %dma_wait3A_259 = tpu.memref_slice %arg7[%add3A_257, %dma_wait3A_258] : memref<80x128xi32, #tpu.memory_space<vmem>> -> memref<1x128xi32, #tpu.memory_space<vmem>>
        %dma_wait3A_260 = tpu.memref_squeeze %dma_wait3A_259 : memref<1x128xi32, #tpu.memory_space<vmem>> -> memref<128xi32, #tpu.memory_space<vmem>>
        %dma_wait3A_261 = arith.constant 0 : i32
        %dma_wait3A_262 = arith.constant 0 : i32
        %dma_wait3A_263 = tpu.memref_slice %arg3[%dma_wait3A_261, %dma_wait3A_262] : memref<10000x128xf32, #tpu.memory_space<hbm>> -> memref<10000x128xf32, #tpu.memory_space<hbm>>
        tpu.wait_indirect_dma semaphore(%arg17 : memref<!tpu.dma_semaphore, #tpu.memory_space<semaphore_mem>>) src(%dma_wait3A_263 : memref<10000x128xf32, #tpu.memory_space<hbm>>) dst(%arg12 : memref<128x128xf32, #tpu.memory_space<vmem>>)
        %add3A_264 = arith.constant 1 : i32
        %add3A_265 = arith.addi %add3A_166, %add3A_264 : i32
        %dma_start3A_266 = arith.constant 0 : i32
        %dma_start3A_267 = tpu.memref_slice %arg8[%add3A_265, %dma_start3A_266] : memref<80x128xi32, #tpu.memory_space<vmem>> -> memref<1x128xi32, #tpu.memory_space<vmem>>
        %dma_start3A_268 = tpu.memref_squeeze %dma_start3A_267 : memref<1x128xi32, #tpu.memory_space<vmem>> -> memref<128xi32, #tpu.memory_space<vmem>>
        %dma_start3A_269 = arith.constant 0 : i32
        %dma_start3A_270 = arith.constant 0 : i32
        %dma_start3A_271 = tpu.memref_slice %arg3[%dma_start3A_269, %dma_start3A_270] : memref<10000x128xf32, #tpu.memory_space<hbm>> -> memref<10000x128xf32, #tpu.memory_space<hbm>>
        tpu.enqueue_indirect_dma source(%dma_start3A_271 : memref<10000x128xf32, #tpu.memory_space<hbm>>) target(%arg12 : memref<128x128xf32, #tpu.memory_space<vmem>>) offsets(%dma_start3A_268 : memref<128xi32, #tpu.memory_space<vmem>>) semaphore(%arg17 : memref<!tpu.dma_semaphore, #tpu.memory_space<semaphore_mem>>) {add = true}
      } else {
      }
      %dma_wait3A_179 = arith.constant 0 : i32
      %dma_wait3A_180 = tpu.memref_slice %arg7[%add3A_166, %dma_wait3A_179] : memref<80x128xi32, #tpu.memory_space<vmem>> -> memref<1x128xi32, #tpu.memory_space<vmem>>
      %dma_wait3A_181 = tpu.memref_squeeze %dma_wait3A_180 : memref<1x128xi32, #tpu.memory_space<vmem>> -> memref<128xi32, #tpu.memory_space<vmem>>
      %dma_wait3A_182 = arith.constant 0 : i32
      %dma_wait3A_183 = arith.constant 0 : i32
      %dma_wait3A_184 = tpu.memref_slice %arg3[%dma_wait3A_182, %dma_wait3A_183] : memref<10000x128xf32, #tpu.memory_space<hbm>> -> memref<10000x128xf32, #tpu.memory_space<hbm>>
      tpu.wait_indirect_dma semaphore(%arg16 : memref<!tpu.dma_semaphore, #tpu.memory_space<semaphore_mem>>) src(%dma_wait3A_184 : memref<10000x128xf32, #tpu.memory_space<hbm>>) dst(%arg11 : memref<128x128xf32, #tpu.memory_space<vmem>>)
      %add3A_185 = arith.addi %mul3A_8, %add3A_166 : i32
      %mul3A_186 = arith.constant 128 : i32
      %mul3A_187 = arith.muli %add3A_185, %mul3A_186 : i32
      %add3A_188 = arith.constant 10000 : i32
      %add3A_189 = arith.addi %add3A_188, %mul3A_187 : i32
      %dma_start3A_190 = arith.constant 0 : i32
      %dma_start3A_191 = tpu.memref_slice %arg6[%add3A_189, %dma_start3A_190] : memref<330000x128xf32, #tpu.memory_space<hbm>> -> memref<128x128xf32, #tpu.memory_space<hbm>>
      %dma_start3A_192 = arith.constant 0 : i32
      %dma_start3A_193 = tpu.memref_slice %arg6[%add3A_189, %dma_start3A_192] : memref<330000x128xf32, #tpu.memory_space<hbm>> -> memref<128x128xf32, #tpu.memory_space<hbm>>
      tpu.enqueue_dma source(%arg11 : memref<128x128xf32, #tpu.memory_space<vmem>>) target(%dma_start3A_193 : memref<128x128xf32, #tpu.memory_space<hbm>>) target_semaphore(%arg21 : memref<!tpu.dma_semaphore, #tpu.memory_space<semaphore_mem>>)
      %mul3A_194 = arith.constant 5 : i32
      %mul3A_195 = arith.muli %while3A_101, %mul3A_194 : i32
      %add3A_196 = arith.constant 3 : i32
      %add3A_197 = arith.addi %mul3A_195, %add3A_196 : i32
      %add3A_198 = arith.constant 3 : i32
      %add3A_199 = arith.addi %add3A_197, %add3A_198 : i32
      %lt3A_200 = arith.cmpi slt, %add3A_199, %min3A_11 : i32
      %convert_element_type3A_201 = arith.extui %lt3A_200 : i1 to i32
      %cond3A_202 = arith.constant 0 : i32
      %cond3A_203 = arith.cmpi ne, %convert_element_type3A_201, %cond3A_202 : i32
      scf.if %cond3A_203 {
        %ge3A = arith.constant 2 : i32
        %ge3A_256 = arith.cmpi sge, %add3A_197, %ge3A : i32
        %convert_element_type3A_257 = arith.extui %ge3A_256 : i1 to i32
        %cond3A_258 = arith.constant 0 : i32
        %cond3A_259 = arith.cmpi ne, %convert_element_type3A_257, %cond3A_258 : i32
        scf.if %cond3A_259 {
          %dma_wait3A_268 = arith.constant 10000 : i32
          %dma_wait3A_269 = arith.constant 0 : i32
          %dma_wait3A_270 = tpu.memref_slice %arg6[%dma_wait3A_268, %dma_wait3A_269] : memref<330000x128xf32, #tpu.memory_space<hbm>> -> memref<128x128xf32, #tpu.memory_space<hbm>>
          %dma_wait3A_271 = arith.constant 10000 : i32
          %dma_wait3A_272 = arith.constant 0 : i32
          %dma_wait3A_273 = tpu.memref_slice %arg6[%dma_wait3A_271, %dma_wait3A_272] : memref<330000x128xf32, #tpu.memory_space<hbm>> -> memref<128x128xf32, #tpu.memory_space<hbm>>
          tpu.wait_dma2 semaphore(%arg20 : memref<!tpu.dma_semaphore, #tpu.memory_space<semaphore_mem>>) src(%arg10 : memref<128x128xf32, #tpu.memory_space<vmem>>) dst(%dma_wait3A_273 : memref<128x128xf32, #tpu.memory_space<hbm>>)
        } else {
        }
        %add3A_260 = arith.constant 3 : i32
        %add3A_261 = arith.addi %add3A_197, %add3A_260 : i32
        %dma_start3A_262 = arith.constant 0 : i32
        %dma_start3A_263 = tpu.memref_slice %arg7[%add3A_261, %dma_start3A_262] : memref<80x128xi32, #tpu.memory_space<vmem>> -> memref<1x128xi32, #tpu.memory_space<vmem>>
        %dma_start3A_264 = tpu.memref_squeeze %dma_start3A_263 : memref<1x128xi32, #tpu.memory_space<vmem>> -> memref<128xi32, #tpu.memory_space<vmem>>
        %dma_start3A_265 = arith.constant 0 : i32
        %dma_start3A_266 = arith.constant 0 : i32
        %dma_start3A_267 = tpu.memref_slice %arg3[%dma_start3A_265, %dma_start3A_266] : memref<10000x128xf32, #tpu.memory_space<hbm>> -> memref<10000x128xf32, #tpu.memory_space<hbm>>
        tpu.enqueue_indirect_dma source(%dma_start3A_267 : memref<10000x128xf32, #tpu.memory_space<hbm>>) target(%arg10 : memref<128x128xf32, #tpu.memory_space<vmem>>) offsets(%dma_start3A_264 : memref<128xi32, #tpu.memory_space<vmem>>) semaphore(%arg15 : memref<!tpu.dma_semaphore, #tpu.memory_space<semaphore_mem>>)
      } else {
      }
      %add3A_204 = arith.constant 1 : i32
      %add3A_205 = arith.addi %add3A_197, %add3A_204 : i32
      %lt3A_206 = arith.cmpi slt, %add3A_205, %min3A_11 : i32
      %convert_element_type3A_207 = arith.extui %lt3A_206 : i1 to i32
      %cond3A_208 = arith.constant 0 : i32
      %cond3A_209 = arith.cmpi ne, %convert_element_type3A_207, %cond3A_208 : i32
      scf.if %cond3A_209 {
        %add3A_256 = arith.constant 1 : i32
        %add3A_257 = arith.addi %add3A_197, %add3A_256 : i32
        %dma_wait3A_258 = arith.constant 0 : i32
        %dma_wait3A_259 = tpu.memref_slice %arg7[%add3A_257, %dma_wait3A_258] : memref<80x128xi32, #tpu.memory_space<vmem>> -> memref<1x128xi32, #tpu.memory_space<vmem>>
        %dma_wait3A_260 = tpu.memref_squeeze %dma_wait3A_259 : memref<1x128xi32, #tpu.memory_space<vmem>> -> memref<128xi32, #tpu.memory_space<vmem>>
        %dma_wait3A_261 = arith.constant 0 : i32
        %dma_wait3A_262 = arith.constant 0 : i32
        %dma_wait3A_263 = tpu.memref_slice %arg3[%dma_wait3A_261, %dma_wait3A_262] : memref<10000x128xf32, #tpu.memory_space<hbm>> -> memref<10000x128xf32, #tpu.memory_space<hbm>>
        tpu.wait_indirect_dma semaphore(%arg18 : memref<!tpu.dma_semaphore, #tpu.memory_space<semaphore_mem>>) src(%dma_wait3A_263 : memref<10000x128xf32, #tpu.memory_space<hbm>>) dst(%arg13 : memref<128x128xf32, #tpu.memory_space<vmem>>)
        %add3A_264 = arith.constant 1 : i32
        %add3A_265 = arith.addi %add3A_197, %add3A_264 : i32
        %dma_start3A_266 = arith.constant 0 : i32
        %dma_start3A_267 = tpu.memref_slice %arg8[%add3A_265, %dma_start3A_266] : memref<80x128xi32, #tpu.memory_space<vmem>> -> memref<1x128xi32, #tpu.memory_space<vmem>>
        %dma_start3A_268 = tpu.memref_squeeze %dma_start3A_267 : memref<1x128xi32, #tpu.memory_space<vmem>> -> memref<128xi32, #tpu.memory_space<vmem>>
        %dma_start3A_269 = arith.constant 0 : i32
        %dma_start3A_270 = arith.constant 0 : i32
        %dma_start3A_271 = tpu.memref_slice %arg3[%dma_start3A_269, %dma_start3A_270] : memref<10000x128xf32, #tpu.memory_space<hbm>> -> memref<10000x128xf32, #tpu.memory_space<hbm>>
        tpu.enqueue_indirect_dma source(%dma_start3A_271 : memref<10000x128xf32, #tpu.memory_space<hbm>>) target(%arg13 : memref<128x128xf32, #tpu.memory_space<vmem>>) offsets(%dma_start3A_268 : memref<128xi32, #tpu.memory_space<vmem>>) semaphore(%arg18 : memref<!tpu.dma_semaphore, #tpu.memory_space<semaphore_mem>>) {add = true}
      } else {
      }
      %dma_wait3A_210 = arith.constant 0 : i32
      %dma_wait3A_211 = tpu.memref_slice %arg7[%add3A_197, %dma_wait3A_210] : memref<80x128xi32, #tpu.memory_space<vmem>> -> memref<1x128xi32, #tpu.memory_space<vmem>>
      %dma_wait3A_212 = tpu.memref_squeeze %dma_wait3A_211 : memref<1x128xi32, #tpu.memory_space<vmem>> -> memref<128xi32, #tpu.memory_space<vmem>>
      %dma_wait3A_213 = arith.constant 0 : i32
      %dma_wait3A_214 = arith.constant 0 : i32
      %dma_wait3A_215 = tpu.memref_slice %arg3[%dma_wait3A_213, %dma_wait3A_214] : memref<10000x128xf32, #tpu.memory_space<hbm>> -> memref<10000x128xf32, #tpu.memory_space<hbm>>
      tpu.wait_indirect_dma semaphore(%arg17 : memref<!tpu.dma_semaphore, #tpu.memory_space<semaphore_mem>>) src(%dma_wait3A_215 : memref<10000x128xf32, #tpu.memory_space<hbm>>) dst(%arg12 : memref<128x128xf32, #tpu.memory_space<vmem>>)
      %add3A_216 = arith.addi %mul3A_8, %add3A_197 : i32
      %mul3A_217 = arith.constant 128 : i32
      %mul3A_218 = arith.muli %add3A_216, %mul3A_217 : i32
      %add3A_219 = arith.constant 10000 : i32
      %add3A_220 = arith.addi %add3A_219, %mul3A_218 : i32
      %dma_start3A_221 = arith.constant 0 : i32
      %dma_start3A_222 = tpu.memref_slice %arg6[%add3A_220, %dma_start3A_221] : memref<330000x128xf32, #tpu.memory_space<hbm>> -> memref<128x128xf32, #tpu.memory_space<hbm>>
      %dma_start3A_223 = arith.constant 0 : i32
      %dma_start3A_224 = tpu.memref_slice %arg6[%add3A_220, %dma_start3A_223] : memref<330000x128xf32, #tpu.memory_space<hbm>> -> memref<128x128xf32, #tpu.memory_space<hbm>>
      tpu.enqueue_dma source(%arg12 : memref<128x128xf32, #tpu.memory_space<vmem>>) target(%dma_start3A_224 : memref<128x128xf32, #tpu.memory_space<hbm>>) target_semaphore(%arg22 : memref<!tpu.dma_semaphore, #tpu.memory_space<semaphore_mem>>)
      %mul3A_225 = arith.constant 5 : i32
      %mul3A_226 = arith.muli %while3A_101, %mul3A_225 : i32
      %add3A_227 = arith.constant 4 : i32
      %add3A_228 = arith.addi %mul3A_226, %add3A_227 : i32
      %add3A_229 = arith.constant 3 : i32
      %add3A_230 = arith.addi %add3A_228, %add3A_229 : i32
      %lt3A_231 = arith.cmpi slt, %add3A_230, %min3A_11 : i32
      %convert_element_type3A_232 = arith.extui %lt3A_231 : i1 to i32
      %cond3A_233 = arith.constant 0 : i32
      %cond3A_234 = arith.cmpi ne, %convert_element_type3A_232, %cond3A_233 : i32
      scf.if %cond3A_234 {
        %ge3A = arith.constant 2 : i32
        %ge3A_256 = arith.cmpi sge, %add3A_228, %ge3A : i32
        %convert_element_type3A_257 = arith.extui %ge3A_256 : i1 to i32
        %cond3A_258 = arith.constant 0 : i32
        %cond3A_259 = arith.cmpi ne, %convert_element_type3A_257, %cond3A_258 : i32
        scf.if %cond3A_259 {
          %dma_wait3A_268 = arith.constant 10000 : i32
          %dma_wait3A_269 = arith.constant 0 : i32
          %dma_wait3A_270 = tpu.memref_slice %arg6[%dma_wait3A_268, %dma_wait3A_269] : memref<330000x128xf32, #tpu.memory_space<hbm>> -> memref<128x128xf32, #tpu.memory_space<hbm>>
          %dma_wait3A_271 = arith.constant 10000 : i32
          %dma_wait3A_272 = arith.constant 0 : i32
          %dma_wait3A_273 = tpu.memref_slice %arg6[%dma_wait3A_271, %dma_wait3A_272] : memref<330000x128xf32, #tpu.memory_space<hbm>> -> memref<128x128xf32, #tpu.memory_space<hbm>>
          tpu.wait_dma2 semaphore(%arg21 : memref<!tpu.dma_semaphore, #tpu.memory_space<semaphore_mem>>) src(%arg11 : memref<128x128xf32, #tpu.memory_space<vmem>>) dst(%dma_wait3A_273 : memref<128x128xf32, #tpu.memory_space<hbm>>)
        } else {
        }
        %add3A_260 = arith.constant 3 : i32
        %add3A_261 = arith.addi %add3A_228, %add3A_260 : i32
        %dma_start3A_262 = arith.constant 0 : i32
        %dma_start3A_263 = tpu.memref_slice %arg7[%add3A_261, %dma_start3A_262] : memref<80x128xi32, #tpu.memory_space<vmem>> -> memref<1x128xi32, #tpu.memory_space<vmem>>
        %dma_start3A_264 = tpu.memref_squeeze %dma_start3A_263 : memref<1x128xi32, #tpu.memory_space<vmem>> -> memref<128xi32, #tpu.memory_space<vmem>>
        %dma_start3A_265 = arith.constant 0 : i32
        %dma_start3A_266 = arith.constant 0 : i32
        %dma_start3A_267 = tpu.memref_slice %arg3[%dma_start3A_265, %dma_start3A_266] : memref<10000x128xf32, #tpu.memory_space<hbm>> -> memref<10000x128xf32, #tpu.memory_space<hbm>>
        tpu.enqueue_indirect_dma source(%dma_start3A_267 : memref<10000x128xf32, #tpu.memory_space<hbm>>) target(%arg11 : memref<128x128xf32, #tpu.memory_space<vmem>>) offsets(%dma_start3A_264 : memref<128xi32, #tpu.memory_space<vmem>>) semaphore(%arg16 : memref<!tpu.dma_semaphore, #tpu.memory_space<semaphore_mem>>)
      } else {
      }
      %add3A_235 = arith.constant 1 : i32
      %add3A_236 = arith.addi %add3A_228, %add3A_235 : i32
      %lt3A_237 = arith.cmpi slt, %add3A_236, %min3A_11 : i32
      %convert_element_type3A_238 = arith.extui %lt3A_237 : i1 to i32
      %cond3A_239 = arith.constant 0 : i32
      %cond3A_240 = arith.cmpi ne, %convert_element_type3A_238, %cond3A_239 : i32
      scf.if %cond3A_240 {
        %add3A_256 = arith.constant 1 : i32
        %add3A_257 = arith.addi %add3A_228, %add3A_256 : i32
        %dma_wait3A_258 = arith.constant 0 : i32
        %dma_wait3A_259 = tpu.memref_slice %arg7[%add3A_257, %dma_wait3A_258] : memref<80x128xi32, #tpu.memory_space<vmem>> -> memref<1x128xi32, #tpu.memory_space<vmem>>
        %dma_wait3A_260 = tpu.memref_squeeze %dma_wait3A_259 : memref<1x128xi32, #tpu.memory_space<vmem>> -> memref<128xi32, #tpu.memory_space<vmem>>
        %dma_wait3A_261 = arith.constant 0 : i32
        %dma_wait3A_262 = arith.constant 0 : i32
        %dma_wait3A_263 = tpu.memref_slice %arg3[%dma_wait3A_261, %dma_wait3A_262] : memref<10000x128xf32, #tpu.memory_space<hbm>> -> memref<10000x128xf32, #tpu.memory_space<hbm>>
        tpu.wait_indirect_dma semaphore(%arg14 : memref<!tpu.dma_semaphore, #tpu.memory_space<semaphore_mem>>) src(%dma_wait3A_263 : memref<10000x128xf32, #tpu.memory_space<hbm>>) dst(%arg9 : memref<128x128xf32, #tpu.memory_space<vmem>>)
        %add3A_264 = arith.constant 1 : i32
        %add3A_265 = arith.addi %add3A_228, %add3A_264 : i32
        %dma_start3A_266 = arith.constant 0 : i32
        %dma_start3A_267 = tpu.memref_slice %arg8[%add3A_265, %dma_start3A_266] : memref<80x128xi32, #tpu.memory_space<vmem>> -> memref<1x128xi32, #tpu.memory_space<vmem>>
        %dma_start3A_268 = tpu.memref_squeeze %dma_start3A_267 : memref<1x128xi32, #tpu.memory_space<vmem>> -> memref<128xi32, #tpu.memory_space<vmem>>
        %dma_start3A_269 = arith.constant 0 : i32
        %dma_start3A_270 = arith.constant 0 : i32
        %dma_start3A_271 = tpu.memref_slice %arg3[%dma_start3A_269, %dma_start3A_270] : memref<10000x128xf32, #tpu.memory_space<hbm>> -> memref<10000x128xf32, #tpu.memory_space<hbm>>
        tpu.enqueue_indirect_dma source(%dma_start3A_271 : memref<10000x128xf32, #tpu.memory_space<hbm>>) target(%arg9 : memref<128x128xf32, #tpu.memory_space<vmem>>) offsets(%dma_start3A_268 : memref<128xi32, #tpu.memory_space<vmem>>) semaphore(%arg14 : memref<!tpu.dma_semaphore, #tpu.memory_space<semaphore_mem>>) {add = true}
      } else {
      }
      %dma_wait3A_241 = arith.constant 0 : i32
      %dma_wait3A_242 = tpu.memref_slice %arg7[%add3A_228, %dma_wait3A_241] : memref<80x128xi32, #tpu.memory_space<vmem>> -> memref<1x128xi32, #tpu.memory_space<vmem>>
      %dma_wait3A_243 = tpu.memref_squeeze %dma_wait3A_242 : memref<1x128xi32, #tpu.memory_space<vmem>> -> memref<128xi32, #tpu.memory_space<vmem>>
      %dma_wait3A_244 = arith.constant 0 : i32
      %dma_wait3A_245 = arith.constant 0 : i32
      %dma_wait3A_246 = tpu.memref_slice %arg3[%dma_wait3A_244, %dma_wait3A_245] : memref<10000x128xf32, #tpu.memory_space<hbm>> -> memref<10000x128xf32, #tpu.memory_space<hbm>>
      tpu.wait_indirect_dma semaphore(%arg18 : memref<!tpu.dma_semaphore, #tpu.memory_space<semaphore_mem>>) src(%dma_wait3A_246 : memref<10000x128xf32, #tpu.memory_space<hbm>>) dst(%arg13 : memref<128x128xf32, #tpu.memory_space<vmem>>)
      %add3A_247 = arith.addi %mul3A_8, %add3A_228 : i32
      %mul3A_248 = arith.constant 128 : i32
      %mul3A_249 = arith.muli %add3A_247, %mul3A_248 : i32
      %add3A_250 = arith.constant 10000 : i32
      %add3A_251 = arith.addi %add3A_250, %mul3A_249 : i32
      %dma_start3A_252 = arith.constant 0 : i32
      %dma_start3A_253 = tpu.memref_slice %arg6[%add3A_251, %dma_start3A_252] : memref<330000x128xf32, #tpu.memory_space<hbm>> -> memref<128x128xf32, #tpu.memory_space<hbm>>
      %dma_start3A_254 = arith.constant 0 : i32
      %dma_start3A_255 = tpu.memref_slice %arg6[%add3A_251, %dma_start3A_254] : memref<330000x128xf32, #tpu.memory_space<hbm>> -> memref<128x128xf32, #tpu.memory_space<hbm>>
      tpu.enqueue_dma source(%arg13 : memref<128x128xf32, #tpu.memory_space<vmem>>) target(%dma_start3A_255 : memref<128x128xf32, #tpu.memory_space<hbm>>) target_semaphore(%arg23 : memref<!tpu.dma_semaphore, #tpu.memory_space<semaphore_mem>>)
    }
    %dma_wait3A_71 = arith.constant 10000 : i32
    %dma_wait3A_72 = arith.constant 0 : i32
    %dma_wait3A_73 = tpu.memref_slice %arg6[%dma_wait3A_71, %dma_wait3A_72] : memref<330000x128xf32, #tpu.memory_space<hbm>> -> memref<128x128xf32, #tpu.memory_space<hbm>>
    %dma_wait3A_74 = arith.constant 10000 : i32
    %dma_wait3A_75 = arith.constant 0 : i32
    %dma_wait3A_76 = tpu.memref_slice %arg6[%dma_wait3A_74, %dma_wait3A_75] : memref<330000x128xf32, #tpu.memory_space<hbm>> -> memref<128x128xf32, #tpu.memory_space<hbm>>
    tpu.wait_dma2 semaphore(%arg19 : memref<!tpu.dma_semaphore, #tpu.memory_space<semaphore_mem>>) src(%arg9 : memref<128x128xf32, #tpu.memory_space<vmem>>) dst(%dma_wait3A_76 : memref<128x128xf32, #tpu.memory_space<hbm>>)
    %dma_wait3A_77 = arith.constant 10000 : i32
    %dma_wait3A_78 = arith.constant 0 : i32
    %dma_wait3A_79 = tpu.memref_slice %arg6[%dma_wait3A_77, %dma_wait3A_78] : memref<330000x128xf32, #tpu.memory_space<hbm>> -> memref<128x128xf32, #tpu.memory_space<hbm>>
    %dma_wait3A_80 = arith.constant 10000 : i32
    %dma_wait3A_81 = arith.constant 0 : i32
    %dma_wait3A_82 = tpu.memref_slice %arg6[%dma_wait3A_80, %dma_wait3A_81] : memref<330000x128xf32, #tpu.memory_space<hbm>> -> memref<128x128xf32, #tpu.memory_space<hbm>>
    tpu.wait_dma2 semaphore(%arg20 : memref<!tpu.dma_semaphore, #tpu.memory_space<semaphore_mem>>) src(%arg10 : memref<128x128xf32, #tpu.memory_space<vmem>>) dst(%dma_wait3A_82 : memref<128x128xf32, #tpu.memory_space<hbm>>)
    %dma_wait3A_83 = arith.constant 10000 : i32
    %dma_wait3A_84 = arith.constant 0 : i32
    %dma_wait3A_85 = tpu.memref_slice %arg6[%dma_wait3A_83, %dma_wait3A_84] : memref<330000x128xf32, #tpu.memory_space<hbm>> -> memref<128x128xf32, #tpu.memory_space<hbm>>
    %dma_wait3A_86 = arith.constant 10000 : i32
    %dma_wait3A_87 = arith.constant 0 : i32
    %dma_wait3A_88 = tpu.memref_slice %arg6[%dma_wait3A_86, %dma_wait3A_87] : memref<330000x128xf32, #tpu.memory_space<hbm>> -> memref<128x128xf32, #tpu.memory_space<hbm>>
    tpu.wait_dma2 semaphore(%arg21 : memref<!tpu.dma_semaphore, #tpu.memory_space<semaphore_mem>>) src(%arg11 : memref<128x128xf32, #tpu.memory_space<vmem>>) dst(%dma_wait3A_88 : memref<128x128xf32, #tpu.memory_space<hbm>>)
    %dma_wait3A_89 = arith.constant 10000 : i32
    %dma_wait3A_90 = arith.constant 0 : i32
    %dma_wait3A_91 = tpu.memref_slice %arg6[%dma_wait3A_89, %dma_wait3A_90] : memref<330000x128xf32, #tpu.memory_space<hbm>> -> memref<128x128xf32, #tpu.memory_space<hbm>>
    %dma_wait3A_92 = arith.constant 10000 : i32
    %dma_wait3A_93 = arith.constant 0 : i32
    %dma_wait3A_94 = tpu.memref_slice %arg6[%dma_wait3A_92, %dma_wait3A_93] : memref<330000x128xf32, #tpu.memory_space<hbm>> -> memref<128x128xf32, #tpu.memory_space<hbm>>
    tpu.wait_dma2 semaphore(%arg22 : memref<!tpu.dma_semaphore, #tpu.memory_space<semaphore_mem>>) src(%arg12 : memref<128x128xf32, #tpu.memory_space<vmem>>) dst(%dma_wait3A_94 : memref<128x128xf32, #tpu.memory_space<hbm>>)
    %dma_wait3A_95 = arith.constant 10000 : i32
    %dma_wait3A_96 = arith.constant 0 : i32
    %dma_wait3A_97 = tpu.memref_slice %arg6[%dma_wait3A_95, %dma_wait3A_96] : memref<330000x128xf32, #tpu.memory_space<hbm>> -> memref<128x128xf32, #tpu.memory_space<hbm>>
    %dma_wait3A_98 = arith.constant 10000 : i32
    %dma_wait3A_99 = arith.constant 0 : i32
    %dma_wait3A_100 = tpu.memref_slice %arg6[%dma_wait3A_98, %dma_wait3A_99] : memref<330000x128xf32, #tpu.memory_space<hbm>> -> memref<128x128xf32, #tpu.memory_space<hbm>>
    tpu.wait_dma2 semaphore(%arg23 : memref<!tpu.dma_semaphore, #tpu.memory_space<semaphore_mem>>) src(%arg13 : memref<128x128xf32, #tpu.memory_space<vmem>>) dst(%dma_wait3A_100 : memref<128x128xf32, #tpu.memory_space<hbm>>)
    return
  }
}

module attributes {stable_mosaic.version = 14 : i64} {
  func.func @body(%arg0: i32, %arg1: memref<1000x128xf32, #tpu.memory_space<vmem>>, %arg2: memref<1000x128xf32, #tpu.memory_space<vmem>>) attributes {dimension_semantics = [#tpu.dimension_semantics<arbitrary>], iteration_bounds = array<i64: 10>, scalar_prefetch = 0 : i64, scratch_operands = 0 : i64, tpu.core_type = #tpu.core_type<tc>, window_params = [{transform_indices = @transform_0, window_bounds = array<i64: 1000, 128>}, {transform_indices = @transform_1, window_bounds = array<i64: 1000, 128>}]} {
    %get3A = arith.constant 0 : index
    %get3A_0 = arith.constant 0 : index
    %get3A_1 = vector.load %arg1[%get3A, %get3A_0] : memref<1000x128xf32, #tpu.memory_space<vmem>>, vector<1000x128xf32>
    %mul3A = arith.constant 5.000000e-01 : f32
    %mul3A_2 = vector.broadcast %mul3A : f32 to vector<1000x128xf32>
    %mul3A_3 = arith.mulf %get3A_1, %mul3A_2 : vector<1000x128xf32>
    %swap3A = arith.constant 0 : index
    %swap3A_4 = arith.constant 0 : index
    %swap3A_5 = vector.load %arg2[%swap3A, %swap3A_4] : memref<1000x128xf32, #tpu.memory_space<vmem>>, vector<1000x128xf32>
    tpu.vector_store %arg2[%swap3A, %swap3A_4], %mul3A_3 {strides = array<i32>} : memref<1000x128xf32, #tpu.memory_space<vmem>>, vector<1000x128xf32>,
    return
  }
  func.func @transform_0(%arg0: i32) -> (i32, i32) {
    %c0_i32 = arith.constant 0 : i32
    %c0_i32_0 = arith.constant 0 : i32
    return %arg0, %c0_i32 : i32, i32
  }
  func.func @transform_1(%arg0: i32) -> (i32, i32) {
    %c0_i32 = arith.constant 0 : i32
    %c0_i32_0 = arith.constant 0 : i32
    return %arg0, %c0_i32 : i32, i32
  }
}

</mosaic_0001>

<sc_bundles>
// kernel: kernel.4.cloned.1.call-start
scs
__scs_entry_jumppad:
0x0: {  	(pc) =	sbr.rel $0x88, $3  }
0x1: {  	(tag) =	ssettag $0x0;
	lr =	simm.s32 $0x1  }
0x2: {  	[smem:$0x3F9F] =	sst lr;
	_ =	strace $0xD0000000  }
0x3: {  	_ = 	snop  }
0x4: {  	_ = 	snop  }
0x5: {  	_ = 	snop  }
0x6: {  	_ = 	snop  }
0x7: {  	_ = 	snop  }
__scs_overlays_trampoline_lowered:
0x8: {  	[smem:$0x3FAE] =	sst s0  }
0x9: {  	[smem:$0x3FAF] =	sst s1  }
0xa: {  	[smem:$0x3FB0] =	sst s2  }
0xb: {  	[smem:$0x3FB1] =	sst s3  }
0xc: {  	[smem:$0x3FB2] =	sst s4  }
0xd: {  	[smem:$0x3FB3] =	sst s5  }
0xe: {  	[smem:$0x3FB4] =	sst s6  }
0xf: {  	[smem:$0x3FB5] =	sst s7  }
0x10: {  	[smem:$0x3FB6] =	sst s8  }
0x11: {  	[smem:$0x3FB7] =	sst s9;
	s0 =	simm.s32 @!p0 $0x0  }
0x12: {  	s1 =	sld [smem:$0x3F9D];
	s0 =	simm.s32 @p0 $0x1  }
0x13: {  	[smem:$0x3FB8] =	sst s0;
	s0 =	simm.s32 @!p1 $0x0  }
0x14: {  	s2 =	sld [smem:$0x3F9C];
	s0 =	simm.s32 @p1 $0x1  }
0x15: {  	[smem:$0x3FB9] =	sst s0;
	s0 =	simm.s32 @!p2 $0x0  }
0x16: {  	s3 =	sld [smem:$0x3FDB];
	s0 =	simm.s32 @p2 $0x1  }
0x17: {  	s4 =	simm.s32 $0x1BF5;
	[smem:$0x3FBB] =	sst s0  }
0x18: {  	s0 =	sld [smem:$0x3F9E];
	_ =	swait.ge [sflag:s4], $0x0  }
0x19: {  	s7 =	sld [smem:$0x3F9F]  }
0x1a: {  	s8 =	sadd.s32 $0xFFFFE003, lr  }
0x1b: {  	s9 =	sadd.s32 $0xFFFFFEF7, lr;
	s5 =	simm.s32 $0xFFFFFFFF;
	p2 =	slt.u32 s8, $0xFFFFF086  }
0x1c: {  	p1 =	slt.u32 s9, $0xF7A;
	s5 =	simm.s32 @!p2 $0x0  }
0x1d: {  	s5 =	simm.s32 @p1 $0x1;
	p0 =	seq.s32 s7, s2  }
0x1e: {  	s7 =	smul.u32 @!p0 $0xF7A, s2;
	p2 =	seq.s32 @!p0 s5, $0x0  }
0x1f: {  	s9 =	smul.u32 $0xF7A, s1;
	s8 =	simm.s32 @!p0 $0x1BF5;
	p2 =	por !p2, p0  }
0x20: {  	[sflag:s8] =	ssyncset.s32 @!p0 $0xFFFFF086;
	s6 =	sadd.s32 @!p0 s3, s7;
	s7 =	simm.s32 @!p0 $0x108  }
0x21: {  	s3 =	sadd.s32 s3, s9;
	s6 =	sadd.s32 @!p0 $0x88, s6;
	s7 =	simm.s32 @p2 $0x1082  }
0x22: {  	[simem:s7], [sflag:s8] =	dma.local @!p0 [hbm:s6], $0xF7A  }
0x23: {  	s9 =	sor.u32 $0xD0000000, s2;
	s6 =	simm.s32 $0x108;
	_ =	swait.ge @!p0 [sflag:s8], $0x0  }
0x24: {  	s3 =	sadd.s32 $0x88, s3;
	s6 =	simm.s32 @!p1 $0x1082;
	[sflag:s4] =	ssyncset.s32 $0xFFFFF086  }
0x25: {  	[simem:s6], [sflag:s4] =	dma.local [hbm:s3], $0xF7A  }
0x26: {  	[smem:$0x3F9F] =	sst s1;
	(tag) =	ssettag s2;
	_ =	strace s9  }
0x27: {  	s1 =	sld [smem:$0x3FAF]  }
0x28: {  	s2 =	sld [smem:$0x3FB0]  }
0x29: {  	s4 =	sld [smem:$0x3FB2]  }
0x2a: {  	p0 =	seq.s32 s5, $0x0;
	s5 =	sld [smem:$0x3FB3]  }
0x2b: {  	s6 =	sld [smem:$0x3FB4]  }
0x2c: {  	s7 =	sld [smem:$0x3FB5]  }
0x2d: {  	s3 =	simm.s32 $0x108;
	s8 =	sld [smem:$0x3FB6]  }
0x2e: {  	s3 =	simm.s32 @!p0 $0x1082;
	s9 =	sld [smem:$0x3FB7]  }
0x2f: {  	lr =	sadd.s32 s0, s3;
	s0 =	sld [smem:$0x3FAE]  }
0x30: {  	s3 =	sld [smem:$0x3FB1]  }
0x31: {  	[smem:$0x3FBA] =	sst s10  }
0x32: {  	s10 =	sld [smem:$0x3FB8];
	_ =	sdelay $0x3  }
0x33: {  	p0 =	seq.s32 s10, $0x1;
	s10 =	sld [smem:$0x3FBA];
	_ =	sdelay $0x3  }
0x34: {  	[smem:$0x3FBA] =	sst s10  }
0x35: {  	s10 =	sld [smem:$0x3FB9];
	_ =	sdelay $0x3  }
0x36: {  	p1 =	seq.s32 s10, $0x1;
	s10 =	sld [smem:$0x3FBA];
	_ =	sdelay $0x3  }
0x37: {  	[smem:$0x3FBA] =	sst s10  }
0x38: {  	s10 =	sld [smem:$0x3FBB]  }
0x39: {  	_ = 	snop;
	(pc) =	sbr.ind lr, $3  }
0x3a: {  	_ = 	snop  }
0x3b: {  	_ = 	snop  }
0x3c: {  	p2 =	seq.s32 s10, $0x1;
	s10 =	sld [smem:$0x3FBA]  }
0x3d: {  	_ =	shalt  }
0x3e: {  	_ =	shalt  }
0x3f: {  	_ =	shalt  }
0x40: {  	_ =	shalt  }
0x41: {  	_ =	shalt  }
0x42: {  	_ =	shalt  }
0x43: {  	_ =	shalt  }
0x44: {  	_ =	shalt  }
0x45: {  	_ =	shalt  }
0x46: {  	_ =	shalt  }
0x47: {  	_ =	shalt  }
0x48: {  	_ =	shalt  }
0x49: {  	_ =	shalt  }
0x4a: {  	_ =	shalt  }
0x4b: {  	_ =	shalt  }
0x4c: {  	_ =	shalt  }
0x4d: {  	_ =	shalt  }
0x4e: {  	_ =	shalt  }
0x4f: {  	_ =	shalt  }
0x50: {  	_ =	shalt  }
0x51: {  	_ =	shalt  }
0x52: {  	_ =	shalt  }
0x53: {  	_ =	shalt  }
0x54: {  	_ =	shalt  }
0x55: {  	_ =	shalt  }
0x56: {  	_ =	shalt  }
0x57: {  	_ =	shalt  }
0x58: {  	_ =	shalt  }
0x59: {  	_ =	shalt  }
0x5a: {  	_ =	shalt  }
0x5b: {  	_ =	shalt  }
0x5c: {  	_ =	shalt  }
0x5d: {  	_ =	shalt  }
0x5e: {  	_ =	shalt  }
0x5f: {  	_ =	shalt  }
0x60: {  	_ =	shalt  }
0x61: {  	_ =	shalt  }
0x62: {  	_ =	shalt  }
0x63: {  	_ =	shalt  }
0x64: {  	_ =	shalt  }
0x65: {  	_ =	shalt  }
0x66: {  	_ =	shalt  }
0x67: {  	_ =	shalt  }
0x68: {  	_ =	shalt  }
0x69: {  	_ =	shalt  }
0x6a: {  	_ =	shalt  }
0x6b: {  	_ =	shalt  }
0x6c: {  	_ =	shalt  }
0x6d: {  	_ =	shalt  }
0x6e: {  	_ =	shalt  }
0x6f: {  	_ =	shalt  }
0x70: {  	_ =	shalt  }
0x71: {  	_ =	shalt  }
0x72: {  	_ =	shalt  }
0x73: {  	_ =	shalt  }
0x74: {  	_ =	shalt  }
0x75: {  	_ =	shalt  }
0x76: {  	_ =	shalt  }
0x77: {  	_ =	shalt  }
0x78: {  	_ =	shalt  }
0x79: {  	_ =	shalt  }
0x7a: {  	_ =	shalt  }
0x7b: {  	_ =	shalt  }
0x7c: {  	_ =	shalt  }
0x7d: {  	_ =	shalt  }
0x7e: {  	_ =	shalt  }
0x7f: {  	_ =	shalt  }
0x80: {  	_ =	shalt  }
0x81: {  	_ =	shalt  }
0x82: {  	_ =	shalt  }
0x83: {  	_ =	shalt  }
0x84: {  	_ =	shalt  }
0x85: {  	_ =	shalt  }
0x86: {  	_ =	shalt  }
0x87: {  	_ =	shalt  }
.Lfunc_end0:
.L_simem_size_0:
called_computation_lowered:
.L_overlay_start_0:
0x88: {  	s2 =	sld [smem:$0x3FD9]  }
0x89: {  	s3 =	sld [smem:$0x3FFE];
	_ =	sdelay $0x1  }
0x8a: {  	s1 =	srdreg.scid  }
0x8b: {  	s0 =	sand.u32 $0x1, s1  }
0x8c: {  	s17 =	sshll.u32 s0, $0xA;
	s2 =	sadd.s32 s3, s2  }
0x8d: {  	s2 =	sadd.s32 s2, s17  }
0x8e: {  	[smem:$0x3FC6] =	sst s2  }
0x8f: {  	_ = 	snop  }
0x90: {  	s2 =	sld [smem:$0x3FC9]  }
0x91: {  	s18 =	sld [smem:$0x3FD0];
	(tm) =	ssettm $0x1  }
0x92: {  	s4 =	sld [smem:$0x3FFB];
	_ =	sdelay $0x3  }
0x93: {  	_ =	strace s4  }
0x94: {  	s4 =	sld [smem:$0x3FFC];
	_ =	sdelay $0x3  }
0x95: {  	_ =	strace s4  }
0x96: {  	s4 =	sld [smem:$0x3FFD];
	_ =	sdelay $0x3  }
0x97: {  	_ =	strace s4  }
0x98: {  	_ =	strace $0x8FFFFFFF  }
0x99: {  	s19 =	sld [smem:$0x3FDB];
	_ =	sdelay $0x1  }
0x9a: {  	s5 =	simm.s32 $_scs_section_size  }
0x9b: {  	s6 =	simm.s32 $_size__tile_overlayer_lowered;
	s7 =	simm.s32 $_tile_overlayer_lowered  }
0x9c: {  	s22 =	simm.s32 $0x1BFF;
	s21 =	sshll.u32 s7, $0x1;
	s4 =	sadd.s32 s5, s19  }
0x9d: {  	s8 =	simm.s32 $0x0;
	s20 =	sshll.u32 s6, $0x1;
	s6 =	sadd.s32 s21, s4  }
0x9e: {  	[timem:s8], [sflag:s22] =	dma.local [hbm:s6], s20  }
0x9f: {  	_ =	swait.ge [sflag:s22], s20  }
0xa0: {  	s5 =	ssub.s32 $0x0, s20;
	[sflag:s22] =	ssyncset.done $0x0  }
0xa1: {  	[sflag:s22] =	ssyncadd.s32 s5;
	_ =	sdelay $0x1  }
0xa2: {  	s23 =	simm.s32 $0x1B8B  }
0xa3: {  	_ =	swait.ge [sflag:s23], $0x1  }
0xa4: {  	[sflag:s23] =	ssyncset.done $0x0  }
0xa5: {  	s25 =	simm.s32 $0x1B8E;
	s24 =	sld [smem:$0x3FFE];
	[sflag:s23] =	ssyncadd.s32 $0xFFFFFFFF  }
0xa6: {  	s26 =	simm.s32 $execute0_lowered;
	[smem:$0x3FD2] =	sst s25  }
0xa7: {  	s6 =	sshll.u32 s26, $0x1;
	_ =	strace $0x80000046;
	[dreg:$0x1] =	wrdreg $0xFFFFFFFF  }
0xa8: {  	s28 =	simm.s32 $_size_execute0_lowered;
	s4 =	sadd.s32 s4, s6;
	[dreg:$0x0] =	wrdreg $0x0  }
0xa9: {  	s6 =	sshll.u32 s28, $0x1;
	[dreg:$0x2] =	wrdreg s4  }
0xaa: {  	[dreg:$0x3] =	wrdreg s6  }
0xab: {  	[dreg:$0x4] =	wrdreg $0xC0  }
0xac: {  	_ =	task [dreg:s8], $0x5FFFF  }
0xad: {  	[dreg:$0x1] =	wrdreg $0xFFFFFFFF  }
0xae: {  	[dreg:$0x0] =	wrdreg $0x60  }
0xaf: {  	[dreg:$0x2] =	wrdreg s2  }
0xb0: {  	[dreg:$0x3] =	wrdreg s24  }
0xb1: {  	[dreg:$0x4] =	wrdreg s18  }
0xb2: {  	[dreg:$0x5] =	wrdreg $0x9  }
0xb3: {  	_ =	task.clear_ibuf [dreg:s8], $0x6FFFF;
	_ =	strace $0x90000046  }
0xb4: {  	s29 =	simm.s32 $0x9;
	_ =	strace $0x80000048  }
0xb5: {  	_ =	swait.ge [sflag:s29], $0x1  }
0xb6: {  	[sflag:s29] =	ssyncadd.s32 $0xFFFFFFFF  }
0xb7: {  	_ =	strace $0x90000048  }
0xb8: {  	_ =	sfence  }
0xb9: {  	s30 =	sld [smem:$0x0];
	_ =	sdelay $0x2  }
0xba: {  	s31 =	sshll.u32 s1, $0xD;
	s1 =	sshrl.u32 s1, $0x2  }
0xbb: {  	s3 =	sand.u32 $0x4000, s31;
	s1 =	sadd.s32 s1, s30  }
0xbc: {  	s0 =	sor.u32 s3, s0;
	s1 =	sshll.u32 s1, $0x11  }
0xbd: {  	s0 =	sor.u32 s1, s0  }
0xbe: {  	s0 =	sadd.s32 $0x8F2B, s0  }
0xbf: {  	[sflag:s0] =	ssyncadd.remote.s32 $0x1  }
0xc0: {  	_ =	sfence.sel $0xFFFF  }
0xc1: {  	[dreg:$0x0] =	wrdreg $0xFFFFFFFF;
	(pc) =	sbr.abs _section_cstart, $3  }
0xc2: {  	[dreg:$0x1] =	wrdreg $0xFFFFFFFF  }
0xc3: {  	_ =	task.clear_ibuf [dreg:s8], $0x2FFFF;
	_ =	strace $0x9FFFFFFF  }
0xc4: {  	(tm) =	ssettm $0x7FFFFFFF  }
0xc5: {  	_ =	shalt  }
tec
execute0_lowered:
.L_overlay_start_1:
0x0: {  	(tag) =	ssettag $0x1  }
0x1: {  	s1 =	rddreg [dreg:$0x0]  }
0x2: {  	s0 =	srdreg.scid;
	s4 =	rddreg [dreg:$0x1]  }
0x3: {  	s12 =	stileid.u32;
	s7 =	rddreg [dreg:$0x2]  }
0x4: {  	s28 =	simm.s32 $0x3;
	s29 =	simm.s32 $0x4;
	s8 =	smul.u32 $0xFFFFFFB0, s12  }
0x5: {  	s30 =	simm.s32 $0x5;
	s0 =	sand.u32 $0x1, s0;
	s14 =	smul.u32 $0x140000, s12  }
0x6: {  	s3 =	sadd.s32 $0x200, s4;
	s2 =	sshll.u32 s0, $0x4;
	s9 =	smul.u32 $0xFFFFFB00, s0  }
0x7: {  	s23 =	ssub.s32 $0x2, s0;
	s0 =	smul.u32 $0x1400000, s0;
	s5 =	sor.u32 s12, s2  }
0x8: {  	s15 =	sadd.s32 $0x27000, s7;
	s2 =	simm.s32 $0x0;
	s6 =	smul.u32 $0x500, s5  }
0x9: {  	s10 =	sshrl.u32 s23, $0x1;
	[smem:$0x7FF] =	sst s2;
	s24 =	smul.u32 $0x1380, s5  }
0xa: {  	s22 =	sadd.s32 s9, s8;
	s11 =	smul.u32 $0x50, s5;
	s8 =	ssub.s32 s23, s10  }
0xb: {  	s9 =	sshll.u32 s12, $0x6;
	s0 =	sadd.s32 s14, s0;
	p0 =	sne.s32 s5, $0x0  }
0xc: {  	s5 =	simm.s32 $0x0;
	_ =	strace $0x80000047;
	[dreg:$0xb] =	wrdreg s15  }
0xd: {  	s18 =	sadd.s32 $0x140800, s0;
	s19 =	smax.u32 s8, $0x1;
	s20 =	sadd.s32 $0x148800, s0  }
0xe: {  	s23 =	sadd.s32 $0x138800, s0;
	s4 =	sadd.s32 s6, s4;
	s6 =	sadd.s32 $0x9C4, s22  }
0xf: {  	s25 =	sadd.s32 s1, s24;
	s31 =	sadd.s32 s7, s24;
	s13 =	ssub.s32 $0x9C4, s11  }
0x10: {  	s1 =	sadd.s32 $0x27000, s1;
	[dreg:$0xe] =	wrdreg s19;
	s22 =	sshrl.u32 s20, $0x3  }
0x11: {  	s24 =	sadd.s32 $0x13C800, s0;
	s0 =	sadd.s32 $0x144800, s0;
	[dreg:$0x7] =	wrdreg s25  }
0x12: {  	s20 =	simm.s32 $0x80;
	s6 =	smin.u32 s6, $0x50;
	[dreg:$0x8] =	wrdreg s31  }
0x13: {  	[dreg:$0xa] =	wrdreg s1;
	s16 =	sadd.s32 $0x31400, s4;
	s4 =	sadd.s32 $0x27400, s4  }
0x14: {  	s0 =	sshrl.u32 s0, $0x3;
	s31 =	simm.s32 $0x15000;
	[dreg:$0xc] =	wrdreg s16  }
0x15: {  	s26 =	smul.u32 $0x67, s6;
	s6 =	sor.u32 $0x1C0B, s9;
	[dreg:$0xd] =	wrdreg s4  }
0x16: {  	s9 =	smin.u32 s13, $0x50;
	s4 =	sshrl.u32 s18, $0x3;
	[dreg:$0x5] =	wrdreg s31  }
0x17: {  	s0 =	sadd.s32 s0, s7;
	[dreg:$0x9] =	wrdreg s6;
	s21 =	sadd.s32 s4, s7  }
0x18: {  	s4 =	sshrl.u32 s24, $0x3;
	[dreg:$0x13] =	wrdreg s0;
	s17 =	sshrl.u32 s26, $0x9  }
0x19: {  	[dreg:$0xf] =	wrdreg s21;
	s25 =	sadd.s32 s4, s7;
	s1 =	smul.u32 $0xA00, s17  }
0x1a: {  	s18 =	simm.s32 $0xB;
	s24 =	simm.s32 $0xD000;
	[dreg:$0x12] =	wrdreg s25  }
0x1b: {  	s21 =	simm.s32 $0x5000;
	[dreg:$0x6] =	wrdreg s1;
	s1 =	sadd.s32 s22, s7  }
0x1c: {  	s26 =	simm.s32 $0x11000;
	[dreg:$0x10] =	wrdreg s1;
	s1 =	sshrl.u32 s23, $0x3  }
0x1d: {  	[dreg:$0x4] =	wrdreg s26;
	s25 =	simm.s32 $0x1;
	s1 =	sadd.s32 s1, s7  }
0x1e: {  	s26 =	simm.s32 $0x2;
	s22 =	simm.s32 $0x9000;
	[dreg:$0x11] =	wrdreg s1  }
.LBB2_1:
0x1f: {  	s0 =	rddreg [dreg:$0x7]  }
0x20: {  	s1 =	rddreg [dreg:$0x8]  }
0x21: {  	s4 =	rddreg [dreg:$0x9]  }
0x22: {  	[hbm:s1], [sflag:s4] =	dma.local [hbm:s0], $0x1380  }
0x23: {  	_ =	swait.ge [sflag:s18], $0x1380  }
0x24: {  	[sflag:s18] =	ssyncset.done $0x0;
	s0 =	rddreg [dreg:$0xa]  }
0x25: {  	s10 =	simm.s32 @!p0 $0xB;
	s1 =	rddreg [dreg:$0xb];
	[sflag:s18] =	ssyncadd.s32 $0xFFFFEC80  }
0x26: {  	[hbm:s1], [sflag:s4] =	dma.local @!p0 [hbm:s0], $0x100  }
0x27: {  	_ =	swait.ge @!p0 [sflag:s10], $0x100  }
0x28: {  	[sflag:s10] =	ssyncset.done @!p0 $0x0  }
0x29: {  	s17 =	rddreg [dreg:$0xc];
	[sflag:s10] =	ssyncadd.s32 @!p0 $0xFFFFFF00  }
0x2a: {  	[tilespmem:s2], [sflag:$0xB] =	stream.linear.gather [hbm4b:s17+s2], $0x2800, $0x38;
	[tilespmem:$0x19000] =	vst v63  }
0x2b: {  	_ =	swait.ge [sflag:s18], $0x2800  }
0x2c: {  	[sflag:s18] =	ssyncset.done $0x0  }
0x2d: {  	s23 =	simm.s32 $0x2800;
	s19 =	rddreg [dreg:$0xd];
	[sflag:s18] =	ssyncadd.s32 $0xFFFFD800  }
0x2e: {  	[tilespmem:s23], [sflag:$0xB] =	stream.linear.gather [hbm4b:s19+s2], $0x2800, $0x38;
	[tilespmem:$0x19000] =	vst v63  }
0x2f: {  	_ =	swait.ge [sflag:s18], $0x2800  }
0x30: {  	[sflag:s18] =	ssyncset.done $0x0  }
0x31: {  	[sflag:s18] =	ssyncadd.s32 $0xFFFFD800  }
0x32: {  	[tilespmem:s21], [sflag:$0x1] =	stream.indirect.gather [hbm4b:s3+s20], $0x80, s2, s20, $0xb8;
	[tilespmem:$0x19000] =	vst v63  }
0x33: {  	_ = 	snop  }
0x34: {  	[tilespmem:s22], [sflag:$0x2] =	stream.indirect.gather [hbm4b:s3+s20], $0x80, s20, s20, $0xb8;
	[tilespmem:$0x19000] =	vst v63  }
0x35: {  	s31 =	simm.s32 $0x100  }
0x36: {  	[tilespmem:s24], [sflag:$0x3] =	stream.indirect.gather [hbm4b:s3+s20], $0x80, s31, s20, $0xb8;
	[tilespmem:$0x19000] =	vst v63  }
0x37: {  	_ =	swait.ge [sflag:s25], $0x4000  }
0x38: {  	s17 =	rddreg [dreg:$0x13]  }
0x39: {  	s16 =	rddreg [dreg:$0x12]  }
0x3a: {  	s15 =	rddreg [dreg:$0x11]  }
0x3b: {  	s12 =	simm.s32 $0x7;
	[sflag:s25] =	ssyncset.done $0x0;
	s14 =	rddreg [dreg:$0x10]  }
0x3c: {  	s11 =	simm.s32 $0x0;
	s13 =	rddreg [dreg:$0xf];
	[sflag:s25] =	ssyncadd.s32 $0xFFFFC000  }
0x3d: {  	[tilespmem:s21], [sflag:$0x1] =	stream.indirect.gather.add.f32 [hbm:s3], $0x80, s23, s20, $0xb8;
	[tilespmem:$0x19000] =	vst v63  }
.LBB2_2:
0x3e: {  	s10 =	sadd.s32 $0xFFFFFFFC, s12  }
0x3f: {  	p1 =	sge.u32 s10, s9  }
0x40: {  	p2 =	seq.s32 @!p1 s11, $0x0  }
0x41: {  	p2 =	por p2, p1  }
0x42: {  	s10 =	simm.s32 @!p2 $0x9  }
0x43: {  	_ =	swait.ge @!p2 [sflag:s10], $0x4000  }
0x44: {  	s31 =	sadd.s32 $0xFFFFFFFA, s12;
	[sflag:s10] =	ssyncset.done @!p2 $0x0  }
0x45: {  	s8 =	simm.s32 @!p1 $0x80;
	[sflag:s10] =	ssyncadd.s32 @!p2 $0xFFFFC000;
	s10 =	sshra.s32 @!p1 s11, $0x2  }
0x46: {  	s7 =	simm.s32 @!p1 $0x11000;
	p2 =	sge.u32 s31, s9;
	s19 =	sadd.s32 @!p1 $0x180, s10  }
0x47: {  	[tilespmem:s7], [sflag:$0x4] =	stream.indirect.gather @!p1 [hbm4b:s3+s8], $0x80, s19, s8, $0xb8;
	[tilespmem:$0x19000] =	vst v63  }
0x48: {  	s19 =	simm.s32 @!p2 $0x2  }
0x49: {  	_ =	swait.ge @!p2 [sflag:s19], $0x4000  }
0x4a: {  	[sflag:s19] =	ssyncset.done @!p2 $0x0  }
0x4b: {  	s0 =	sadd.s32 $0xFFFFFFFD, s12;
	[sflag:s19] =	ssyncadd.s32 @!p2 $0xFFFFC000;
	s19 =	sshra.s32 @!p2 s11, $0x2  }
0x4c: {  	s31 =	simm.s32 @!p2 $0x80;
	s1 =	simm.s32 @!p2 $0x9000;
	s19 =	sadd.s32 @!p2 $0x2880, s19  }
0x4d: {  	[tilespmem:s1], [sflag:$0x2] =	stream.indirect.gather.add.f32 @!p2 [hbm:s3], $0x80, s19, s31, $0xb8;
	[tilespmem:$0x19000] =	vst v63  }
0x4e: {  	p2 =	sge.u32 s0, s9  }
0x4f: {  	_ =	swait.ge [sflag:s25], $0x4000;
	p3 =	seq.s32 @!p2 s11, $0x0  }
0x50: {  	[sflag:s25] =	ssyncset.done $0x0;
	p3 =	por p3, p2  }
0x51: {  	[sflag:s25] =	ssyncadd.s32 $0xFFFFC000;
	s1 =	simm.s32 @!p3 $0xA  }
0x52: {  	[hbm4b:s15+s2] =	stream.linear.scatter [tilespmem:s21], [sflag:$0x6], $0x4000, $0x38;
	[tilespmem:$0x19000] =	vst v63  }
0x53: {  	_ =	swait.ge @!p3 [sflag:s1], $0x4000  }
0x54: {  	s4 =	sadd.s32 $0xFFFFFFFB, s12;
	[sflag:s1] =	ssyncset.done @!p3 $0x0  }
0x55: {  	s31 =	simm.s32 @!p2 $0x80;
	[sflag:s1] =	ssyncadd.s32 @!p3 $0xFFFFC000;
	s1 =	sshra.s32 @!p2 s11, $0x2  }
0x56: {  	s0 =	simm.s32 @!p2 $0x15000;
	p3 =	sge.u32 s4, s9;
	s19 =	sadd.s32 @!p2 $0x200, s1  }
0x57: {  	[tilespmem:s0], [sflag:$0x5] =	stream.indirect.gather @!p2 [hbm4b:s3+s31], $0x80, s19, s31, $0xb8;
	[tilespmem:$0x19000] =	vst v63  }
0x58: {  	s19 =	simm.s32 @!p3 $0x3  }
0x59: {  	_ =	swait.ge @!p3 [sflag:s19], $0x4000  }
0x5a: {  	[sflag:s19] =	ssyncset.done @!p3 $0x0  }
0x5b: {  	[sflag:s19] =	ssyncadd.s32 @!p3 $0xFFFFC000;
	s19 =	sshra.s32 @!p3 s11, $0x2  }
0x5c: {  	s23 =	simm.s32 @!p3 $0x80;
	s4 =	simm.s32 @!p3 $0xD000;
	s19 =	sadd.s32 @!p3 $0x2900, s19  }
0x5d: {  	[tilespmem:s4], [sflag:$0x3] =	stream.indirect.gather.add.f32 @!p3 [hbm:s3], $0x80, s19, s23, $0xb8;
	[tilespmem:$0x19000] =	vst v63  }
0x5e: {  	s6 =	sadd.s32 $0xFFFFFFFE, s12;
	_ =	swait.ge [sflag:s26], $0x4000  }
0x5f: {  	p3 =	sge.u32 s6, s9;
	[sflag:s26] =	ssyncset.done $0x0  }
0x60: {  	s4 =	simm.s32 @!p3 $0x6;
	[sflag:s26] =	ssyncadd.s32 $0xFFFFC000  }
0x61: {  	[hbm4b:s16+s2] =	stream.linear.scatter [tilespmem:s22], [sflag:$0x7], $0x4000, $0x38;
	[tilespmem:$0x19000] =	vst v63  }
0x62: {  	_ =	swait.ge @!p3 [sflag:s4], $0x4000  }
0x63: {  	[sflag:s4] =	ssyncset.done @!p3 $0x0  }
0x64: {  	[sflag:s4] =	ssyncadd.s32 @!p3 $0xFFFFC000;
	s4 =	sshra.s32 @!p3 s11, $0x2  }
0x65: {  	s23 =	simm.s32 @!p3 $0x80;
	s6 =	simm.s32 @!p3 $0x5000;
	s19 =	sadd.s32 @!p3 $0x280, s4  }
0x66: {  	[tilespmem:s6], [sflag:$0x1] =	stream.indirect.gather @!p3 [hbm4b:s3+s23], $0x80, s19, s23, $0xb8;
	[tilespmem:$0x19000] =	vst v63  }
0x67: {  	s19 =	simm.s32 @!p1 $0x4  }
0x68: {  	_ =	swait.ge @!p1 [sflag:s19], $0x4000  }
0x69: {  	[sflag:s19] =	ssyncset.done @!p1 $0x0  }
0x6a: {  	s10 =	sadd.s32 @!p1 $0x2980, s10;
	[sflag:s19] =	ssyncadd.s32 @!p1 $0xFFFFC000  }
0x6b: {  	[tilespmem:s7], [sflag:$0x4] =	stream.indirect.gather.add.f32 @!p1 [hbm:s3], $0x80, s10, s8, $0xb8;
	[tilespmem:$0x19000] =	vst v63  }
0x6c: {  	s10 =	sadd.s32 $0xFFFFFFFF, s12;
	_ =	swait.ge [sflag:s28], $0x4000  }
0x6d: {  	p1 =	sge.u32 s10, s9;
	[sflag:s28] =	ssyncset.done $0x0  }
0x6e: {  	s7 =	simm.s32 @!p1 $0x7;
	[sflag:s28] =	ssyncadd.s32 $0xFFFFC000  }
0x6f: {  	[hbm4b:s13+s2] =	stream.linear.scatter [tilespmem:s24], [sflag:$0x8], $0x4000, $0x38;
	[tilespmem:$0x19000] =	vst v63  }
0x70: {  	_ =	swait.ge @!p1 [sflag:s7], $0x4000  }
0x71: {  	[sflag:s7] =	ssyncset.done @!p1 $0x0  }
0x72: {  	[sflag:s7] =	ssyncadd.s32 @!p1 $0xFFFFC000;
	s7 =	sshra.s32 @!p1 s11, $0x2  }
0x73: {  	s8 =	simm.s32 @!p1 $0x80;
	s10 =	simm.s32 @!p1 $0x9000;
	s7 =	sadd.s32 @!p1 $0x300, s7  }
0x74: {  	[tilespmem:s10], [sflag:$0x2] =	stream.indirect.gather @!p1 [hbm4b:s3+s8], $0x80, s7, s8, $0xb8;
	[tilespmem:$0x19000] =	vst v63  }
0x75: {  	s7 =	simm.s32 @!p2 $0x5  }
0x76: {  	_ =	swait.ge @!p2 [sflag:s7], $0x4000  }
0x77: {  	[sflag:s7] =	ssyncset.done @!p2 $0x0  }
0x78: {  	s1 =	sadd.s32 @!p2 $0x2A00, s1;
	[sflag:s7] =	ssyncadd.s32 @!p2 $0xFFFFC000  }
0x79: {  	[tilespmem:s0], [sflag:$0x5] =	stream.indirect.gather.add.f32 @!p2 [hbm:s3], $0x80, s1, s31, $0xb8;
	[tilespmem:$0x19000] =	vst v63  }
0x7a: {  	_ =	swait.ge [sflag:s29], $0x4000  }
0x7b: {  	p1 =	sge.u32 s12, s9;
	[sflag:s29] =	ssyncset.done $0x0  }
0x7c: {  	s0 =	simm.s32 @!p1 $0x8;
	s19 =	rddreg [dreg:$0x4];
	[sflag:s29] =	ssyncadd.s32 $0xFFFFC000  }
0x7d: {  	[hbm4b:s17+s2] =	stream.linear.scatter [tilespmem:s19], [sflag:$0x9], $0x4000, $0x38;
	[tilespmem:$0x19000] =	vst v63  }
0x7e: {  	_ =	swait.ge @!p1 [sflag:s0], $0x4000  }
0x7f: {  	[sflag:s0] =	ssyncset.done @!p1 $0x0  }
0x80: {  	[sflag:s0] =	ssyncadd.s32 @!p1 $0xFFFFC000;
	s0 =	sshra.s32 @!p1 s11, $0x2  }
0x81: {  	s7 =	simm.s32 @!p1 $0xD000;
	s1 =	simm.s32 @!p1 $0x80;
	s0 =	sadd.s32 @!p1 $0x380, s0  }
0x82: {  	[tilespmem:s7], [sflag:$0x3] =	stream.indirect.gather @!p1 [hbm4b:s3+s1], $0x80, s0, s1, $0xb8;
	[tilespmem:$0x19000] =	vst v63  }
0x83: {  	s0 =	simm.s32 @!p3 $0x1  }
0x84: {  	_ =	swait.ge @!p3 [sflag:s0], $0x4000  }
0x85: {  	[sflag:s0] =	ssyncset.done @!p3 $0x0  }
0x86: {  	[sflag:s0] =	ssyncadd.s32 @!p3 $0xFFFFC000;
	s0 =	sadd.s32 @!p3 $0x2A80, s4  }
0x87: {  	[tilespmem:s6], [sflag:$0x1] =	stream.indirect.gather.add.f32 @!p3 [hbm:s3], $0x80, s0, s23, $0xb8;
	[tilespmem:$0x19000] =	vst v63  }
0x88: {  	_ =	swait.ge [sflag:s30], $0x4000  }
0x89: {  	s11 =	sadd.s32 $0xA00, s11;
	s31 =	rddreg [dreg:$0x6]  }
0x8a: {  	p1 =	sne.s32 s31, s11  }
.Ltmp0:
0x8b: {  	_ = 	snop;
	(pc) =	sbr.rel @p1 .LBB2_2-.Ltmp0, $4  }
0x8c: {  	s15 =	sadd.s32 $0x2800, s15;
	s16 =	sadd.s32 $0x2800, s16;
	[sflag:s30] =	ssyncset.done $0x0  }
0x8d: {  	s13 =	sadd.s32 $0x2800, s13;
	s23 =	rddreg [dreg:$0x5];
	[sflag:s30] =	ssyncadd.s32 $0xFFFFC000  }
0x8e: {  	[hbm4b:s14+s2] =	stream.linear.scatter [tilespmem:s23], [sflag:$0xA], $0x4000, $0x38;
	[tilespmem:$0x19000] =	vst v63  }
0x8f: {  	s12 =	sadd.s32 $0x5, s12;
	s17 =	sadd.s32 $0x2800, s17;
	s14 =	sadd.s32 $0x2800, s14  }
0x90: {  	s0 =	simm.s32 $0x6  }
0x91: {  	_ =	swait.ge [sflag:s0], $0x4000  }
0x92: {  	[sflag:s0] =	ssyncset.done $0x0  }
0x93: {  	s17 =	simm.s32 $0x7;
	[sflag:s0] =	ssyncadd.s32 $0xFFFFC000  }
0x94: {  	_ =	swait.ge [sflag:s17], $0x4000  }
0x95: {  	[sflag:s17] =	ssyncset.done $0x0  }
0x96: {  	s19 =	simm.s32 $0x8;
	[sflag:s17] =	ssyncadd.s32 $0xFFFFC000  }
0x97: {  	_ =	swait.ge [sflag:s19], $0x4000  }
0x98: {  	[sflag:s19] =	ssyncset.done $0x0  }
0x99: {  	s23 =	simm.s32 $0x9;
	[sflag:s19] =	ssyncadd.s32 $0xFFFFC000  }
0x9a: {  	_ =	swait.ge [sflag:s23], $0x4000  }
0x9b: {  	[sflag:s23] =	ssyncset.done $0x0  }
0x9c: {  	s1 =	simm.s32 $0xA;
	[sflag:s23] =	ssyncadd.s32 $0xFFFFC000  }
0x9d: {  	_ =	swait.ge [sflag:s1], $0x4000  }
0x9e: {  	s5 =	sadd.s32 $0x1, s5;
	s31 =	rddreg [dreg:$0xe]  }
0x9f: {  	p1 =	sne.s32 s5, s31  }
.Ltmp1:
0xa0: {  	_ = 	snop;
	(pc) =	sbr.rel @p1 .LBB2_1-.Ltmp1, $3  }
0xa1: {  	_ =	sdelay $0x1  }
0xa2: {  	[sflag:s1] =	ssyncset.done $0x0  }
0xa3: {  	[sflag:s1] =	ssyncadd.s32 $0xFFFFC000  }
0xa4: {  	_ =	sfence.sel $0x180000  }
0xa5: {  	[bflag:$0x0] =	sbarrier.arrive $0xFFFF  }
0xa6: {  	_ =	strace $0x90000047  }
0xa7: {  	s0 =	stileid.u32;
	[bflag:$0x2] =	sbarrier.arrive $0xFFFF  }
0xa8: {  	p0 =	sne.s32 s0, $0x0;
	s0 =	rddreg [dreg:$0x3]  }
0xa9: {  	s0 =	sadd.s32 @!p0 $0x100000, s0  }
0xaa: {  	[sflag:s0] =	ssyncadd.tile.s32 @!p0 $0x1;
	_ =	shalt  }
.Lfunc_end2:
_tile_overlayer_lowered:
.L_overlay_start_2:
0xab: {  	(tag) =	ssettag $0x2  }
0xac: {  	s0 =	rddreg [dreg:$0x0];
	s2 =	stileid.u32  }
0xad: {  	s1 =	rddreg [dreg:$0x1];
	p0 =	sne.s32 s2, $0x0  }
0xae: {  	s3 =	rddreg [dreg:$0x2];
	[bflag:$0x3] =	sbarrier.arrive $0xFFFF;
	s2 =	simm.s32 @!p0 $0x1C0B  }
0xaf: {  	[timem:s3], [sflag:s2] =	dma.local @!p0 [hbm:s0], s1  }
0xb0: {  	s0 =	simm.s32 @!p0 $0xB  }
0xb1: {  	_ =	swait.ge @!p0 [sflag:s0], s1  }
0xb2: {  	s1 =	ssub.s32 @!p0 $0x0, s1;
	[sflag:s0] =	ssyncset.done @!p0 $0x0  }
0xb3: {  	[sflag:s0] =	ssyncadd.s32 @!p0 s1  }
0xb4: {  	[bflag:$0x3] =	sbarrier.arrive $0xFFFF  }
0xb5: {  	_ =	shalt  }

</sc_bundles>
